<compile_context>
chip_gen: v7x
topology: tpu7x:2x2x1
jax: 0.10.2.dev20260603
libtpu: 0.0.44.dev20260713+nightly
codegen_flags: <defaults>
</compile_context>

<pallas_src>
import functools

import jax
import jax.numpy as jnp
from jax import lax
from jax.experimental import pallas as pl
from jax.experimental.pallas import tpu as pltpu
from jax.experimental.pallas import tpu_sc as plsc

N = 10000
E = 320000
D_IN = 128
D_H = 256
D_OUT = 128

NC = 2
NS = 16
NW = NC * NS
CH = 80
EPW = E // NW
NCHUNK = EPW // CH
NP = 10240
RPT = NP // NS

_mesh = plsc.VectorSubcoreMesh(core_axis_name="c", subcore_axis_name="s")


def _seg_sum_body(with_cnt, feat_hbm, src_hbm, dst_hbm, zf_hbm, zc_hbm,
                  ones_hbm, acc_out, cnt_out, src_v, dst_v, rows_v,
                  ones_v, acc_sh, cnt_sh, sem):
    cid = lax.axis_index("c")
    sid = lax.axis_index("s")
    wid = cid * NS + sid
    r0 = sid * RPT

    pltpu.sync_copy(zf_hbm.at[pl.ds(r0, RPT)], acc_sh.at[pl.ds(r0, RPT)])
    if with_cnt:
        pltpu.sync_copy(zc_hbm.at[pl.ds(r0, RPT)], cnt_sh.at[pl.ds(r0, RPT)])
        pltpu.sync_copy(ones_hbm, ones_v)
    plsc.subcore_barrier()
    base_e = wid * EPW

    def body(j, carry):
        off = base_e + j * CH
        pltpu.sync_copy(src_hbm.at[pl.ds(off, CH)], src_v)
        pltpu.sync_copy(dst_hbm.at[pl.ds(off, CH)], dst_v)
        pltpu.async_copy(feat_hbm.at[src_v], rows_v, sem).wait()
        pltpu.sync_copy(rows_v, acc_sh.at[dst_v], add=True)
        if with_cnt:
            pltpu.sync_copy(ones_v, cnt_sh.at[dst_v], add=True)
        return carry

    lax.fori_loop(0, NCHUNK, body, 0)
    plsc.subcore_barrier()

    out_r0 = cid * NP + r0
    pltpu.sync_copy(acc_sh.at[pl.ds(r0, RPT)], acc_out.at[pl.ds(out_r0, RPT)])
    if with_cnt:
        pltpu.sync_copy(cnt_sh.at[pl.ds(r0, RPT)],
                        cnt_out.at[pl.ds(out_r0, RPT)])


@functools.partial(
    pl.kernel,
    mesh=_mesh,
    out_type=[
        jax.ShapeDtypeStruct((NC * NP, D_IN), jnp.float32),
        jax.ShapeDtypeStruct((NC * NP,), jnp.float32),
    ],
    scratch_types=[
        pltpu.VMEM((CH,), jnp.int32),
        pltpu.VMEM((CH,), jnp.int32),
        pltpu.VMEM((CH, D_IN), jnp.float32),
        pltpu.VMEM((CH,), jnp.float32),
        pltpu.VMEM_SHARED((NP, D_IN), jnp.float32),
        pltpu.VMEM_SHARED((NP,), jnp.float32),
        pltpu.SemaphoreType.DMA,
    ],
)
def _seg_sum_cnt_kernel(feat_hbm, src_hbm, dst_hbm, zf_hbm, zc_hbm, ones_hbm,
                        acc_out, cnt_out, src_v, dst_v, rows_v, ones_v,
                        acc_sh, cnt_sh, sem):
    _seg_sum_body(True, feat_hbm, src_hbm, dst_hbm, zf_hbm, zc_hbm, ones_hbm,
                  acc_out, cnt_out, src_v, dst_v, rows_v, ones_v, acc_sh,
                  cnt_sh, sem)


@functools.partial(
    pl.kernel,
    mesh=_mesh,
    out_type=jax.ShapeDtypeStruct((NC * NP, D_IN), jnp.float32),
    scratch_types=[
        pltpu.VMEM((CH,), jnp.int32),
        pltpu.VMEM((CH,), jnp.int32),
        pltpu.VMEM((CH, D_IN), jnp.float32),
        pltpu.VMEM_SHARED((NP, D_IN), jnp.float32),
        pltpu.SemaphoreType.DMA,
    ],
)
def _seg_sum_kernel(feat_hbm, src_hbm, dst_hbm, zf_hbm, acc_out, src_v,
                    dst_v, rows_v, acc_sh, sem):
    _seg_sum_body(False, feat_hbm, src_hbm, dst_hbm, zf_hbm, None, None,
                  acc_out, None, src_v, dst_v, rows_v, None, acc_sh,
                  None, sem)


def _tc1_body(x_ref, a0_ref, a1_ref, c0_ref, c1_ref, wl1_ref, wr1_ref,
              b1_ref, g_ref, be_ref, rm_ref, rv_ref, wl2_ref, h_ref, y_ref):
    cnt = c0_ref[...] + c1_ref[...]
    mean = (a0_ref[...] + a1_ref[...]) / jnp.maximum(cnt, 1.0)
    z = (jnp.dot(mean, wl1_ref[...], preferred_element_type=jnp.float32)
         + jnp.dot(x_ref[...], wr1_ref[...], preferred_element_type=jnp.float32)
         + b1_ref[...])
    scale = g_ref[...] * lax.rsqrt(rv_ref[...] + 1e-5)
    h = jnp.maximum((z - rm_ref[...]) * scale + be_ref[...], 0.0)
    h_ref[...] = h
    y_ref[...] = jnp.dot(h, wl2_ref[...], preferred_element_type=jnp.float32)


def _tc2_body(h_ref, a0_ref, a1_ref, c0_ref, c1_ref, wr2_ref, b2_ref,
              out_ref):
    cnt = c0_ref[...] + c1_ref[...]
    mean = (a0_ref[...] + a1_ref[...]) / jnp.maximum(cnt, 1.0)
    out_ref[...] = (
        mean + b2_ref[...]
        + jnp.dot(h_ref[...], wr2_ref[...], preferred_element_type=jnp.float32))


BR = 1000


def _row_spec(d):
    return pl.BlockSpec((BR, d), lambda i: (i, 0))


def _full_spec(r, d):
    return pl.BlockSpec((r, d), lambda i: (0, 0))


_tc1 = pl.pallas_call(
    _tc1_body,
    grid=(N // BR,),
    in_specs=[
        _row_spec(D_IN), _row_spec(D_IN), _row_spec(D_IN),
        _row_spec(1), _row_spec(1),
        _full_spec(D_IN, D_H), _full_spec(D_IN, D_H), _full_spec(1, D_H),
        _full_spec(1, D_H), _full_spec(1, D_H), _full_spec(1, D_H),
        _full_spec(1, D_H), _full_spec(D_H, D_OUT),
    ],
    out_specs=[_row_spec(D_H), _row_spec(D_OUT)],
    out_shape=[
        jax.ShapeDtypeStruct((N, D_H), jnp.float32),
        jax.ShapeDtypeStruct((N, D_OUT), jnp.float32),
    ],
)

_tc2 = pl.pallas_call(
    _tc2_body,
    grid=(N // BR,),
    in_specs=[
        _row_spec(D_H), _row_spec(D_OUT), _row_spec(D_OUT),
        _row_spec(1), _row_spec(1),
        _full_spec(D_H, D_OUT), _full_spec(1, D_OUT),
    ],
    out_specs=_row_spec(D_OUT),
    out_shape=jax.ShapeDtypeStruct((N, D_OUT), jnp.float32),
)


def kernel(x, edge_index, W_l1, b1, W_r1, gamma1, beta1, rm1, rv1,
           W_l2, b2, W_r2):
    src = edge_index[0].astype(jnp.int32)
    dst = edge_index[1].astype(jnp.int32)
    zf = jnp.zeros((NP, D_IN), jnp.float32)
    zc = jnp.zeros((NP,), jnp.float32)
    ones = jnp.ones((CH,), jnp.float32)

    acc1, cnt1 = _seg_sum_cnt_kernel(x, src, dst, zf, zc, ones)
    c0 = cnt1[:N].reshape(N, 1)
    c1 = cnt1[NP:NP + N].reshape(N, 1)
    h, y = _tc1(
        x, acc1[:N], acc1[NP:NP + N], c0, c1,
        W_l1, W_r1, b1.reshape(1, D_H), gamma1.reshape(1, D_H),
        beta1.reshape(1, D_H), rm1.reshape(1, D_H), rv1.reshape(1, D_H),
        W_l2)
    acc2 = _seg_sum_kernel(y, src, dst, zf)
    out = _tc2(h, acc2[:N], acc2[NP:NP + N], c0, c1,
               W_r2, b2.reshape(1, D_OUT))
    return out

# --- scband reference (transcript-rebuilt; emitter-appended) ---
"""Pipeline reference for scband-graph-sageencoder-48318382080414 (READ-ONLY COPY).

The authoritative reference and input builder live on the scoring server;
editing this copy changes nothing except your own understanding.
"""

import jax, jax.numpy as jnp
import numpy as np

N = 10000
E = 320000
D_IN = 128
D_H = 256
D_OUT = 128


def setup_inputs(seed: int = 0) -> dict:
    key = jax.random.key(seed)
    ks = jax.random.split(key, 12)
    x = jax.random.normal(ks[0], (N, D_IN), dtype=jnp.float32)
    edge_index = jax.random.randint(ks[1], (2, E), 0, N, dtype=jnp.int64)
    # SAGEConv layer 1: lin_l (applied to aggregated neighbors, with bias), lin_r (root, no bias)
    W_l1 = jax.random.normal(ks[2], (D_IN, D_H), dtype=jnp.float32) * (1.0 / np.sqrt(D_IN))
    b1 = jnp.zeros((D_H,), dtype=jnp.float32)
    W_r1 = jax.random.normal(ks[3], (D_IN, D_H), dtype=jnp.float32) * (1.0 / np.sqrt(D_IN))
    # BatchNorm1d params (eval mode: running stats)
    gamma1 = jnp.ones((D_H,), dtype=jnp.float32)
    beta1 = jnp.zeros((D_H,), dtype=jnp.float32)
    rm1 = jnp.zeros((D_H,), dtype=jnp.float32)
    rv1 = jnp.ones((D_H,), dtype=jnp.float32)
    # SAGEConv layer 2
    W_l2 = jax.random.normal(ks[4], (D_H, D_OUT), dtype=jnp.float32) * (1.0 / np.sqrt(D_H))
    b2 = jnp.zeros((D_OUT,), dtype=jnp.float32)
    W_r2 = jax.random.normal(ks[5], (D_H, D_OUT), dtype=jnp.float32) * (1.0 / np.sqrt(D_H))
    return {
        "x": x, "edge_index": edge_index,
        "W_l1": W_l1, "b1": b1, "W_r1": W_r1,
        "gamma1": gamma1, "beta1": beta1, "rm1": rm1, "rv1": rv1,
        "W_l2": W_l2, "b2": b2, "W_r2": W_r2,
    }


def _sage_conv(x, edge_index, W_l, b_l, W_r):
    # PyG SAGEConv with aggr='mean': out = lin_l(mean_{j in N(i)} x_j) + lin_r(x_i)
    src = edge_index[0]
    dst = edge_index[1]
    msgs = jnp.take(x, src, axis=0)               # gather (SparseCore)
    agg = jax.ops.segment_sum(msgs, dst, num_segments=N)   # scatter-add
    cnt = jax.ops.segment_sum(jnp.ones((msgs.shape[0], 1), dtype=x.dtype), dst, num_segments=N)
    mean = agg / jnp.clip(cnt, 1.0, None)
    return mean @ W_l + b_l + x @ W_r


def _batch_norm_eval(h, gamma, beta, rm, rv, eps=1e-5):
    return gamma * (h - rm) / jnp.sqrt(rv + eps) + beta


def reference(x, edge_index, W_l1, b1, W_r1, gamma1, beta1, rm1, rv1, W_l2, b2, W_r2):
    h = _sage_conv(x, edge_index, W_l1, b1, W_r1)
    h = _batch_norm_eval(h, gamma1, beta1, rm1, rv1)
    h = jax.nn.relu(h)
    # dropout is identity in eval mode
    out = _sage_conv(h, edge_index, W_l2, b2, W_r2)
    return out

if __name__ == "__main__":
    import jax
    _d = setup_inputs()
    print(jax.jit(kernel)(*tuple(_d.values())))

</pallas_src>

<mosaic_0001>
#map = affine_map<(d0, d1) -> (0, 0)>
#map1 = affine_map<(d0, d1) -> (0)>
module attributes {stable_mosaic.version = 14 : i64} {
  func.func @_seg_sum_kernel(%arg0: i32, %arg1: i32, %arg2: memref<10000x128xf32, #tpu.memory_space<hbm>>, %arg3: memref<320000xi32, #tpu.memory_space<hbm>>, %arg4: memref<320000xi32, #tpu.memory_space<hbm>>, %arg5: memref<10240x128xf32, #tpu.memory_space<hbm>>, %arg6: memref<20480x128xf32, #tpu.memory_space<hbm>>, %arg7: memref<80xi32, #tpu.memory_space<vmem>>, %arg8: memref<80xi32, #tpu.memory_space<vmem>>, %arg9: memref<80x128xf32, #tpu.memory_space<vmem>>, %arg10: memref<10240x128xf32, #tpu.memory_space<vmem_shared>>, %arg11: memref<!tpu.dma_semaphore, #tpu.memory_space<semaphore_mem>>) attributes {dimension_semantics = [#tpu.dimension_semantics<core_parallel>, #tpu.dimension_semantics<subcore_parallel>], iteration_bounds = array<i64: 2, 16>, scalar_prefetch = 0 : i64, scratch_operands = 5 : i64, tpu.core_type = #tpu.core_type<sc_vector_subcore>, window_params = [{transform_indices = #map}, {transform_indices = #map1}, {transform_indices = #map1}, {transform_indices = #map}, {transform_indices = #map}]} {
    %mul3A = arith.constant 16 : i32
    %mul3A_0 = arith.muli %arg0, %mul3A : i32
    %add3A = arith.addi %mul3A_0, %arg1 : i32
    %mul3A_1 = arith.constant 640 : i32
    %mul3A_2 = arith.muli %arg1, %mul3A_1 : i32
    "tpu.region"() ({
      %run_scoped3A = tpu.sem_alloc : memref<!tpu.dma_semaphore, #tpu.memory_space<semaphore_mem>>
      %dma_start3A = arith.constant 0 : i32
      %dma_start3A_14 = tpu.memref_slice %arg10[%mul3A_2, %dma_start3A] : memref<10240x128xf32, #tpu.memory_space<vmem_shared>> -> memref<640x128xf32, #tpu.memory_space<vmem_shared>>
      %dma_start3A_15 = arith.constant 0 : i32
      %dma_start3A_16 = tpu.memref_slice %arg5[%mul3A_2, %dma_start3A_15] : memref<10240x128xf32, #tpu.memory_space<hbm>> -> memref<640x128xf32, #tpu.memory_space<hbm>>
      tpu.enqueue_dma source(%dma_start3A_16 : memref<640x128xf32, #tpu.memory_space<hbm>>) target(%dma_start3A_14 : memref<640x128xf32, #tpu.memory_space<vmem_shared>>) target_semaphore(%run_scoped3A : memref<!tpu.dma_semaphore, #tpu.memory_space<semaphore_mem>>)
      %dma_wait3A = arith.constant 0 : i32
      %dma_wait3A_17 = tpu.memref_slice %arg10[%mul3A_2, %dma_wait3A] : memref<10240x128xf32, #tpu.memory_space<vmem_shared>> -> memref<640x128xf32, #tpu.memory_space<vmem_shared>>
      %dma_wait3A_18 = arith.constant 0 : i32
      %dma_wait3A_19 = tpu.memref_slice %arg5[%mul3A_2, %dma_wait3A_18] : memref<10240x128xf32, #tpu.memory_space<hbm>> -> memref<640x128xf32, #tpu.memory_space<hbm>>
      tpu.wait_dma2 semaphore(%run_scoped3A : memref<!tpu.dma_semaphore, #tpu.memory_space<semaphore_mem>>) src(%dma_wait3A_19 : memref<640x128xf32, #tpu.memory_space<hbm>>) dst(%dma_wait3A_17 : memref<640x128xf32, #tpu.memory_space<vmem_shared>>)
      tpu.yield
    }) : () -> ()
    %barrier3A = arith.constant 0 : index
    tpu.barrier barrier_id(%barrier3A)
    %mul3A_3 = arith.constant 10000 : i32
    %mul3A_4 = arith.muli %add3A, %mul3A_3 : i32
    %scan3A = arith.constant 0 : i32
    %scan3A_5 = arith.constant 0 : i32
    %scan3A_6 = arith.constant 125 : i32
    %scan3A_7 = arith.addi %scan3A_5, %scan3A_6 : i32
    %scan3A_8 = arith.constant 1 : i32
    scf.for %scan3A_14 = %scan3A_5 to %scan3A_7 step %scan3A_8  : i32 {
      %mul3A_15 = arith.constant 80 : i32
      %mul3A_16 = arith.muli %scan3A_14, %mul3A_15 : i32
      %add3A_17 = arith.addi %mul3A_4, %mul3A_16 : i32
      "tpu.region"() ({
        %run_scoped3A = tpu.sem_alloc : memref<!tpu.dma_semaphore, #tpu.memory_space<semaphore_mem>>
        %dma_start3A_22 = tpu.memref_slice %arg3[%add3A_17] : memref<320000xi32, #tpu.memory_space<hbm>> -> memref<80xi32, #tpu.memory_space<hbm>>
        %dma_start3A_23 = tpu.memref_slice %arg3[%add3A_17] : memref<320000xi32, #tpu.memory_space<hbm>> -> memref<80xi32, #tpu.memory_space<hbm>>
        tpu.enqueue_dma source(%dma_start3A_23 : memref<80xi32, #tpu.memory_space<hbm>>) target(%arg7 : memref<80xi32, #tpu.memory_space<vmem>>) target_semaphore(%run_scoped3A : memref<!tpu.dma_semaphore, #tpu.memory_space<semaphore_mem>>)
        %dma_wait3A_24 = tpu.memref_slice %arg3[%add3A_17] : memref<320000xi32, #tpu.memory_space<hbm>> -> memref<80xi32, #tpu.memory_space<hbm>>
        %dma_wait3A_25 = tpu.memref_slice %arg3[%add3A_17] : memref<320000xi32, #tpu.memory_space<hbm>> -> memref<80xi32, #tpu.memory_space<hbm>>
        tpu.wait_dma2 semaphore(%run_scoped3A : memref<!tpu.dma_semaphore, #tpu.memory_space<semaphore_mem>>) src(%dma_wait3A_25 : memref<80xi32, #tpu.memory_space<hbm>>) dst(%arg7 : memref<80xi32, #tpu.memory_space<vmem>>)
        tpu.yield
      }) : () -> ()
      "tpu.region"() ({
        %run_scoped3A = tpu.sem_alloc : memref<!tpu.dma_semaphore, #tpu.memory_space<semaphore_mem>>
        %dma_start3A_22 = tpu.memref_slice %arg4[%add3A_17] : memref<320000xi32, #tpu.memory_space<hbm>> -> memref<80xi32, #tpu.memory_space<hbm>>
        %dma_start3A_23 = tpu.memref_slice %arg4[%add3A_17] : memref<320000xi32, #tpu.memory_space<hbm>> -> memref<80xi32, #tpu.memory_space<hbm>>
        tpu.enqueue_dma source(%dma_start3A_23 : memref<80xi32, #tpu.memory_space<hbm>>) target(%arg8 : memref<80xi32, #tpu.memory_space<vmem>>) target_semaphore(%run_scoped3A : memref<!tpu.dma_semaphore, #tpu.memory_space<semaphore_mem>>)
        %dma_wait3A_24 = tpu.memref_slice %arg4[%add3A_17] : memref<320000xi32, #tpu.memory_space<hbm>> -> memref<80xi32, #tpu.memory_space<hbm>>
        %dma_wait3A_25 = tpu.memref_slice %arg4[%add3A_17] : memref<320000xi32, #tpu.memory_space<hbm>> -> memref<80xi32, #tpu.memory_space<hbm>>
        tpu.wait_dma2 semaphore(%run_scoped3A : memref<!tpu.dma_semaphore, #tpu.memory_space<semaphore_mem>>) src(%dma_wait3A_25 : memref<80xi32, #tpu.memory_space<hbm>>) dst(%arg8 : memref<80xi32, #tpu.memory_space<vmem>>)
        tpu.yield
      }) : () -> ()
      %dma_start3A = arith.constant 0 : i32
      %dma_start3A_18 = arith.constant 0 : i32
      %dma_start3A_19 = tpu.memref_slice %arg2[%dma_start3A, %dma_start3A_18] : memref<10000x128xf32, #tpu.memory_space<hbm>> -> memref<10000x128xf32, #tpu.memory_space<hbm>>
      tpu.enqueue_indirect_dma source(%dma_start3A_19 : memref<10000x128xf32, #tpu.memory_space<hbm>>) target(%arg9 : memref<80x128xf32, #tpu.memory_space<vmem>>) offsets(%arg7 : memref<80xi32, #tpu.memory_space<vmem>>) semaphore(%arg11 : memref<!tpu.dma_semaphore, #tpu.memory_space<semaphore_mem>>)
      %dma_wait3A = arith.constant 0 : i32
      %dma_wait3A_20 = arith.constant 0 : i32
      %dma_wait3A_21 = tpu.memref_slice %arg2[%dma_wait3A, %dma_wait3A_20] : memref<10000x128xf32, #tpu.memory_space<hbm>> -> memref<10000x128xf32, #tpu.memory_space<hbm>>
      tpu.wait_indirect_dma semaphore(%arg11 : memref<!tpu.dma_semaphore, #tpu.memory_space<semaphore_mem>>) src(%dma_wait3A_21 : memref<10000x128xf32, #tpu.memory_space<hbm>>) dst(%arg9 : memref<80x128xf32, #tpu.memory_space<vmem>>)
      "tpu.region"() ({
        %run_scoped3A = tpu.sem_alloc : memref<!tpu.dma_semaphore, #tpu.memory_space<semaphore_mem>>
        %dma_start3A_22 = arith.constant 0 : i32
        %dma_start3A_23 = arith.constant 0 : i32
        %dma_start3A_24 = tpu.memref_slice %arg10[%dma_start3A_22, %dma_start3A_23] : memref<10240x128xf32, #tpu.memory_space<vmem_shared>> -> memref<10240x128xf32, #tpu.memory_space<vmem_shared>>
        tpu.enqueue_indirect_dma source(%arg9 : memref<80x128xf32, #tpu.memory_space<vmem>>) target(%dma_start3A_24 : memref<10240x128xf32, #tpu.memory_space<vmem_shared>>) offsets(%arg8 : memref<80xi32, #tpu.memory_space<vmem>>) semaphore(%run_scoped3A : memref<!tpu.dma_semaphore, #tpu.memory_space<semaphore_mem>>) {add = true}
        %dma_wait3A_25 = arith.constant 0 : i32
        %dma_wait3A_26 = arith.constant 0 : i32
        %dma_wait3A_27 = tpu.memref_slice %arg10[%dma_wait3A_25, %dma_wait3A_26] : memref<10240x128xf32, #tpu.memory_space<vmem_shared>> -> memref<10240x128xf32, #tpu.memory_space<vmem_shared>>
        tpu.wait_indirect_dma semaphore(%run_scoped3A : memref<!tpu.dma_semaphore, #tpu.memory_space<semaphore_mem>>) src(%arg9 : memref<80x128xf32, #tpu.memory_space<vmem>>) dst(%dma_wait3A_27 : memref<10240x128xf32, #tpu.memory_space<vmem_shared>>)
        tpu.yield
      }) : () -> ()
    }
    %scan3A_9 = arith.constant 125 : i32
    %barrier3A_10 = arith.constant 0 : index
    tpu.barrier barrier_id(%barrier3A_10)
    %mul3A_11 = arith.constant 10240 : i32
    %mul3A_12 = arith.muli %arg0, %mul3A_11 : i32
    %add3A_13 = arith.addi %mul3A_12, %mul3A_2 : i32
    "tpu.region"() ({
      %run_scoped3A = tpu.sem_alloc : memref<!tpu.dma_semaphore, #tpu.memory_space<semaphore_mem>>
      %dma_start3A = arith.constant 0 : i32
      %dma_start3A_14 = tpu.memref_slice %arg6[%add3A_13, %dma_start3A] : memref<20480x128xf32, #tpu.memory_space<hbm>> -> memref<640x128xf32, #tpu.memory_space<hbm>>
      %dma_start3A_15 = arith.constant 0 : i32
      %dma_start3A_16 = tpu.memref_slice %arg10[%mul3A_2, %dma_start3A_15] : memref<10240x128xf32, #tpu.memory_space<vmem_shared>> -> memref<640x128xf32, #tpu.memory_space<vmem_shared>>
      tpu.enqueue_dma source(%dma_start3A_16 : memref<640x128xf32, #tpu.memory_space<vmem_shared>>) target(%dma_start3A_14 : memref<640x128xf32, #tpu.memory_space<hbm>>) target_semaphore(%run_scoped3A : memref<!tpu.dma_semaphore, #tpu.memory_space<semaphore_mem>>)
      %dma_wait3A = arith.constant 0 : i32
      %dma_wait3A_17 = tpu.memref_slice %arg6[%add3A_13, %dma_wait3A] : memref<20480x128xf32, #tpu.memory_space<hbm>> -> memref<640x128xf32, #tpu.memory_space<hbm>>
      %dma_wait3A_18 = arith.constant 0 : i32
      %dma_wait3A_19 = tpu.memref_slice %arg10[%mul3A_2, %dma_wait3A_18] : memref<10240x128xf32, #tpu.memory_space<vmem_shared>> -> memref<640x128xf32, #tpu.memory_space<vmem_shared>>
      tpu.wait_dma2 semaphore(%run_scoped3A : memref<!tpu.dma_semaphore, #tpu.memory_space<semaphore_mem>>) src(%dma_wait3A_19 : memref<640x128xf32, #tpu.memory_space<vmem_shared>>) dst(%dma_wait3A_17 : memref<640x128xf32, #tpu.memory_space<hbm>>)
      tpu.yield
    }) : () -> ()
    return
  }
}

#map = affine_map<(d0, d1) -> (0, 0)>
#map1 = affine_map<(d0, d1) -> (0)>
module attributes {stable_mosaic.version = 14 : i64} {
  func.func @_seg_sum_cnt_kernel(%arg0: i32, %arg1: i32, %arg2: memref<10000x128xf32, #tpu.memory_space<hbm>>, %arg3: memref<320000xi32, #tpu.memory_space<hbm>>, %arg4: memref<320000xi32, #tpu.memory_space<hbm>>, %arg5: memref<10240x128xf32, #tpu.memory_space<hbm>>, %arg6: memref<10240xf32, #tpu.memory_space<hbm>>, %arg7: memref<80xf32, #tpu.memory_space<hbm>>, %arg8: memref<20480x128xf32, #tpu.memory_space<hbm>>, %arg9: memref<20480xf32, #tpu.memory_space<hbm>>, %arg10: memref<80xi32, #tpu.memory_space<vmem>>, %arg11: memref<80xi32, #tpu.memory_space<vmem>>, %arg12: memref<80x128xf32, #tpu.memory_space<vmem>>, %arg13: memref<80xf32, #tpu.memory_space<vmem>>, %arg14: memref<10240x128xf32, #tpu.memory_space<vmem_shared>>, %arg15: memref<10240xf32, #tpu.memory_space<vmem_shared>>, %arg16: memref<!tpu.dma_semaphore, #tpu.memory_space<semaphore_mem>>) attributes {dimension_semantics = [#tpu.dimension_semantics<core_parallel>, #tpu.dimension_semantics<subcore_parallel>], iteration_bounds = array<i64: 2, 16>, scalar_prefetch = 0 : i64, scratch_operands = 7 : i64, tpu.core_type = #tpu.core_type<sc_vector_subcore>, window_params = [{transform_indices = #map}, {transform_indices = #map1}, {transform_indices = #map1}, {transform_indices = #map}, {transform_indices = #map1}, {transform_indices = #map1}, {transform_indices = #map}, {transform_indices = #map1}]} {
    %mul3A = arith.constant 16 : i32
    %mul3A_0 = arith.muli %arg0, %mul3A : i32
    %add3A = arith.addi %mul3A_0, %arg1 : i32
    %mul3A_1 = arith.constant 640 : i32
    %mul3A_2 = arith.muli %arg1, %mul3A_1 : i32
    "tpu.region"() ({
      %run_scoped3A = tpu.sem_alloc : memref<!tpu.dma_semaphore, #tpu.memory_space<semaphore_mem>>
      %dma_start3A = arith.constant 0 : i32
      %dma_start3A_14 = tpu.memref_slice %arg14[%mul3A_2, %dma_start3A] : memref<10240x128xf32, #tpu.memory_space<vmem_shared>> -> memref<640x128xf32, #tpu.memory_space<vmem_shared>>
      %dma_start3A_15 = arith.constant 0 : i32
      %dma_start3A_16 = tpu.memref_slice %arg5[%mul3A_2, %dma_start3A_15] : memref<10240x128xf32, #tpu.memory_space<hbm>> -> memref<640x128xf32, #tpu.memory_space<hbm>>
      tpu.enqueue_dma source(%dma_start3A_16 : memref<640x128xf32, #tpu.memory_space<hbm>>) target(%dma_start3A_14 : memref<640x128xf32, #tpu.memory_space<vmem_shared>>) target_semaphore(%run_scoped3A : memref<!tpu.dma_semaphore, #tpu.memory_space<semaphore_mem>>)
      %dma_wait3A = arith.constant 0 : i32
      %dma_wait3A_17 = tpu.memref_slice %arg14[%mul3A_2, %dma_wait3A] : memref<10240x128xf32, #tpu.memory_space<vmem_shared>> -> memref<640x128xf32, #tpu.memory_space<vmem_shared>>
      %dma_wait3A_18 = arith.constant 0 : i32
      %dma_wait3A_19 = tpu.memref_slice %arg5[%mul3A_2, %dma_wait3A_18] : memref<10240x128xf32, #tpu.memory_space<hbm>> -> memref<640x128xf32, #tpu.memory_space<hbm>>
      tpu.wait_dma2 semaphore(%run_scoped3A : memref<!tpu.dma_semaphore, #tpu.memory_space<semaphore_mem>>) src(%dma_wait3A_19 : memref<640x128xf32, #tpu.memory_space<hbm>>) dst(%dma_wait3A_17 : memref<640x128xf32, #tpu.memory_space<vmem_shared>>)
      tpu.yield
    }) : () -> ()
    "tpu.region"() ({
      %run_scoped3A = tpu.sem_alloc : memref<!tpu.dma_semaphore, #tpu.memory_space<semaphore_mem>>
      %dma_start3A = tpu.memref_slice %arg15[%mul3A_2] : memref<10240xf32, #tpu.memory_space<vmem_shared>> -> memref<640xf32, #tpu.memory_space<vmem_shared>>
      %dma_start3A_14 = tpu.memref_slice %arg6[%mul3A_2] : memref<10240xf32, #tpu.memory_space<hbm>> -> memref<640xf32, #tpu.memory_space<hbm>>
      tpu.enqueue_dma source(%dma_start3A_14 : memref<640xf32, #tpu.memory_space<hbm>>) target(%dma_start3A : memref<640xf32, #tpu.memory_space<vmem_shared>>) target_semaphore(%run_scoped3A : memref<!tpu.dma_semaphore, #tpu.memory_space<semaphore_mem>>)
      %dma_wait3A = tpu.memref_slice %arg15[%mul3A_2] : memref<10240xf32, #tpu.memory_space<vmem_shared>> -> memref<640xf32, #tpu.memory_space<vmem_shared>>
      %dma_wait3A_15 = tpu.memref_slice %arg6[%mul3A_2] : memref<10240xf32, #tpu.memory_space<hbm>> -> memref<640xf32, #tpu.memory_space<hbm>>
      tpu.wait_dma2 semaphore(%run_scoped3A : memref<!tpu.dma_semaphore, #tpu.memory_space<semaphore_mem>>) src(%dma_wait3A_15 : memref<640xf32, #tpu.memory_space<hbm>>) dst(%dma_wait3A : memref<640xf32, #tpu.memory_space<vmem_shared>>)
      tpu.yield
    }) : () -> ()
    "tpu.region"() ({
      %run_scoped3A = tpu.sem_alloc : memref<!tpu.dma_semaphore, #tpu.memory_space<semaphore_mem>>
      tpu.enqueue_dma source(%arg7 : memref<80xf32, #tpu.memory_space<hbm>>) target(%arg13 : memref<80xf32, #tpu.memory_space<vmem>>) target_semaphore(%run_scoped3A : memref<!tpu.dma_semaphore, #tpu.memory_space<semaphore_mem>>)
      tpu.wait_dma2 semaphore(%run_scoped3A : memref<!tpu.dma_semaphore, #tpu.memory_space<semaphore_mem>>) src(%arg7 : memref<80xf32, #tpu.memory_space<hbm>>) dst(%arg13 : memref<80xf32, #tpu.memory_space<vmem>>)
      tpu.yield
    }) : () -> ()
    %barrier3A = arith.constant 0 : index
    tpu.barrier barrier_id(%barrier3A)
    %mul3A_3 = arith.constant 10000 : i32
    %mul3A_4 = arith.muli %add3A, %mul3A_3 : i32
    %scan3A = arith.constant 0 : i32
    %scan3A_5 = arith.constant 0 : i32
    %scan3A_6 = arith.constant 125 : i32
    %scan3A_7 = arith.addi %scan3A_5, %scan3A_6 : i32
    %scan3A_8 = arith.constant 1 : i32
    scf.for %scan3A_14 = %scan3A_5 to %scan3A_7 step %scan3A_8  : i32 {
      %mul3A_15 = arith.constant 80 : i32
      %mul3A_16 = arith.muli %scan3A_14, %mul3A_15 : i32
      %add3A_17 = arith.addi %mul3A_4, %mul3A_16 : i32
      "tpu.region"() ({
        %run_scoped3A = tpu.sem_alloc : memref<!tpu.dma_semaphore, #tpu.memory_space<semaphore_mem>>
        %dma_start3A_22 = tpu.memref_slice %arg3[%add3A_17] : memref<320000xi32, #tpu.memory_space<hbm>> -> memref<80xi32, #tpu.memory_space<hbm>>
        %dma_start3A_23 = tpu.memref_slice %arg3[%add3A_17] : memref<320000xi32, #tpu.memory_space<hbm>> -> memref<80xi32, #tpu.memory_space<hbm>>
        tpu.enqueue_dma source(%dma_start3A_23 : memref<80xi32, #tpu.memory_space<hbm>>) target(%arg10 : memref<80xi32, #tpu.memory_space<vmem>>) target_semaphore(%run_scoped3A : memref<!tpu.dma_semaphore, #tpu.memory_space<semaphore_mem>>)
        %dma_wait3A_24 = tpu.memref_slice %arg3[%add3A_17] : memref<320000xi32, #tpu.memory_space<hbm>> -> memref<80xi32, #tpu.memory_space<hbm>>
        %dma_wait3A_25 = tpu.memref_slice %arg3[%add3A_17] : memref<320000xi32, #tpu.memory_space<hbm>> -> memref<80xi32, #tpu.memory_space<hbm>>
        tpu.wait_dma2 semaphore(%run_scoped3A : memref<!tpu.dma_semaphore, #tpu.memory_space<semaphore_mem>>) src(%dma_wait3A_25 : memref<80xi32, #tpu.memory_space<hbm>>) dst(%arg10 : memref<80xi32, #tpu.memory_space<vmem>>)
        tpu.yield
      }) : () -> ()
      "tpu.region"() ({
        %run_scoped3A = tpu.sem_alloc : memref<!tpu.dma_semaphore, #tpu.memory_space<semaphore_mem>>
        %dma_start3A_22 = tpu.memref_slice %arg4[%add3A_17] : memref<320000xi32, #tpu.memory_space<hbm>> -> memref<80xi32, #tpu.memory_space<hbm>>
        %dma_start3A_23 = tpu.memref_slice %arg4[%add3A_17] : memref<320000xi32, #tpu.memory_space<hbm>> -> memref<80xi32, #tpu.memory_space<hbm>>
        tpu.enqueue_dma source(%dma_start3A_23 : memref<80xi32, #tpu.memory_space<hbm>>) target(%arg11 : memref<80xi32, #tpu.memory_space<vmem>>) target_semaphore(%run_scoped3A : memref<!tpu.dma_semaphore, #tpu.memory_space<semaphore_mem>>)
        %dma_wait3A_24 = tpu.memref_slice %arg4[%add3A_17] : memref<320000xi32, #tpu.memory_space<hbm>> -> memref<80xi32, #tpu.memory_space<hbm>>
        %dma_wait3A_25 = tpu.memref_slice %arg4[%add3A_17] : memref<320000xi32, #tpu.memory_space<hbm>> -> memref<80xi32, #tpu.memory_space<hbm>>
        tpu.wait_dma2 semaphore(%run_scoped3A : memref<!tpu.dma_semaphore, #tpu.memory_space<semaphore_mem>>) src(%dma_wait3A_25 : memref<80xi32, #tpu.memory_space<hbm>>) dst(%arg11 : memref<80xi32, #tpu.memory_space<vmem>>)
        tpu.yield
      }) : () -> ()
      %dma_start3A = arith.constant 0 : i32
      %dma_start3A_18 = arith.constant 0 : i32
      %dma_start3A_19 = tpu.memref_slice %arg2[%dma_start3A, %dma_start3A_18] : memref<10000x128xf32, #tpu.memory_space<hbm>> -> memref<10000x128xf32, #tpu.memory_space<hbm>>
      tpu.enqueue_indirect_dma source(%dma_start3A_19 : memref<10000x128xf32, #tpu.memory_space<hbm>>) target(%arg12 : memref<80x128xf32, #tpu.memory_space<vmem>>) offsets(%arg10 : memref<80xi32, #tpu.memory_space<vmem>>) semaphore(%arg16 : memref<!tpu.dma_semaphore, #tpu.memory_space<semaphore_mem>>)
      %dma_wait3A = arith.constant 0 : i32
      %dma_wait3A_20 = arith.constant 0 : i32
      %dma_wait3A_21 = tpu.memref_slice %arg2[%dma_wait3A, %dma_wait3A_20] : memref<10000x128xf32, #tpu.memory_space<hbm>> -> memref<10000x128xf32, #tpu.memory_space<hbm>>
      tpu.wait_indirect_dma semaphore(%arg16 : memref<!tpu.dma_semaphore, #tpu.memory_space<semaphore_mem>>) src(%dma_wait3A_21 : memref<10000x128xf32, #tpu.memory_space<hbm>>) dst(%arg12 : memref<80x128xf32, #tpu.memory_space<vmem>>)
      "tpu.region"() ({
        %run_scoped3A = tpu.sem_alloc : memref<!tpu.dma_semaphore, #tpu.memory_space<semaphore_mem>>
        %dma_start3A_22 = arith.constant 0 : i32
        %dma_start3A_23 = arith.constant 0 : i32
        %dma_start3A_24 = tpu.memref_slice %arg14[%dma_start3A_22, %dma_start3A_23] : memref<10240x128xf32, #tpu.memory_space<vmem_shared>> -> memref<10240x128xf32, #tpu.memory_space<vmem_shared>>
        tpu.enqueue_indirect_dma source(%arg12 : memref<80x128xf32, #tpu.memory_space<vmem>>) target(%dma_start3A_24 : memref<10240x128xf32, #tpu.memory_space<vmem_shared>>) offsets(%arg11 : memref<80xi32, #tpu.memory_space<vmem>>) semaphore(%run_scoped3A : memref<!tpu.dma_semaphore, #tpu.memory_space<semaphore_mem>>) {add = true}
        %dma_wait3A_25 = arith.constant 0 : i32
        %dma_wait3A_26 = arith.constant 0 : i32
        %dma_wait3A_27 = tpu.memref_slice %arg14[%dma_wait3A_25, %dma_wait3A_26] : memref<10240x128xf32, #tpu.memory_space<vmem_shared>> -> memref<10240x128xf32, #tpu.memory_space<vmem_shared>>
        tpu.wait_indirect_dma semaphore(%run_scoped3A : memref<!tpu.dma_semaphore, #tpu.memory_space<semaphore_mem>>) src(%arg12 : memref<80x128xf32, #tpu.memory_space<vmem>>) dst(%dma_wait3A_27 : memref<10240x128xf32, #tpu.memory_space<vmem_shared>>)
        tpu.yield
      }) : () -> ()
      "tpu.region"() ({
        %run_scoped3A = tpu.sem_alloc : memref<!tpu.dma_semaphore, #tpu.memory_space<semaphore_mem>>
        %dma_start3A_22 = arith.constant 0 : i32
        %dma_start3A_23 = tpu.memref_slice %arg15[%dma_start3A_22] : memref<10240xf32, #tpu.memory_space<vmem_shared>> -> memref<10240xf32, #tpu.memory_space<vmem_shared>>
        tpu.enqueue_indirect_dma source(%arg13 : memref<80xf32, #tpu.memory_space<vmem>>) target(%dma_start3A_23 : memref<10240xf32, #tpu.memory_space<vmem_shared>>) offsets(%arg11 : memref<80xi32, #tpu.memory_space<vmem>>) semaphore(%run_scoped3A : memref<!tpu.dma_semaphore, #tpu.memory_space<semaphore_mem>>) {add = true}
        %dma_wait3A_24 = arith.constant 0 : i32
        %dma_wait3A_25 = tpu.memref_slice %arg15[%dma_wait3A_24] : memref<10240xf32, #tpu.memory_space<vmem_shared>> -> memref<10240xf32, #tpu.memory_space<vmem_shared>>
        tpu.wait_indirect_dma semaphore(%run_scoped3A : memref<!tpu.dma_semaphore, #tpu.memory_space<semaphore_mem>>) src(%arg13 : memref<80xf32, #tpu.memory_space<vmem>>) dst(%dma_wait3A_25 : memref<10240xf32, #tpu.memory_space<vmem_shared>>)
        tpu.yield
      }) : () -> ()
    }
    %scan3A_9 = arith.constant 125 : i32
    %barrier3A_10 = arith.constant 0 : index
    tpu.barrier barrier_id(%barrier3A_10)
    %mul3A_11 = arith.constant 10240 : i32
    %mul3A_12 = arith.muli %arg0, %mul3A_11 : i32
    %add3A_13 = arith.addi %mul3A_12, %mul3A_2 : i32
    "tpu.region"() ({
      %run_scoped3A = tpu.sem_alloc : memref<!tpu.dma_semaphore, #tpu.memory_space<semaphore_mem>>
      %dma_start3A = arith.constant 0 : i32
      %dma_start3A_14 = tpu.memref_slice %arg8[%add3A_13, %dma_start3A] : memref<20480x128xf32, #tpu.memory_space<hbm>> -> memref<640x128xf32, #tpu.memory_space<hbm>>
      %dma_start3A_15 = arith.constant 0 : i32
      %dma_start3A_16 = tpu.memref_slice %arg14[%mul3A_2, %dma_start3A_15] : memref<10240x128xf32, #tpu.memory_space<vmem_shared>> -> memref<640x128xf32, #tpu.memory_space<vmem_shared>>
      tpu.enqueue_dma source(%dma_start3A_16 : memref<640x128xf32, #tpu.memory_space<vmem_shared>>) target(%dma_start3A_14 : memref<640x128xf32, #tpu.memory_space<hbm>>) target_semaphore(%run_scoped3A : memref<!tpu.dma_semaphore, #tpu.memory_space<semaphore_mem>>)
      %dma_wait3A = arith.constant 0 : i32
      %dma_wait3A_17 = tpu.memref_slice %arg8[%add3A_13, %dma_wait3A] : memref<20480x128xf32, #tpu.memory_space<hbm>> -> memref<640x128xf32, #tpu.memory_space<hbm>>
      %dma_wait3A_18 = arith.constant 0 : i32
      %dma_wait3A_19 = tpu.memref_slice %arg14[%mul3A_2, %dma_wait3A_18] : memref<10240x128xf32, #tpu.memory_space<vmem_shared>> -> memref<640x128xf32, #tpu.memory_space<vmem_shared>>
      tpu.wait_dma2 semaphore(%run_scoped3A : memref<!tpu.dma_semaphore, #tpu.memory_space<semaphore_mem>>) src(%dma_wait3A_19 : memref<640x128xf32, #tpu.memory_space<vmem_shared>>) dst(%dma_wait3A_17 : memref<640x128xf32, #tpu.memory_space<hbm>>)
      tpu.yield
    }) : () -> ()
    "tpu.region"() ({
      %run_scoped3A = tpu.sem_alloc : memref<!tpu.dma_semaphore, #tpu.memory_space<semaphore_mem>>
      %dma_start3A = tpu.memref_slice %arg9[%add3A_13] : memref<20480xf32, #tpu.memory_space<hbm>> -> memref<640xf32, #tpu.memory_space<hbm>>
      %dma_start3A_14 = tpu.memref_slice %arg15[%mul3A_2] : memref<10240xf32, #tpu.memory_space<vmem_shared>> -> memref<640xf32, #tpu.memory_space<vmem_shared>>
      tpu.enqueue_dma source(%dma_start3A_14 : memref<640xf32, #tpu.memory_space<vmem_shared>>) target(%dma_start3A : memref<640xf32, #tpu.memory_space<hbm>>) target_semaphore(%run_scoped3A : memref<!tpu.dma_semaphore, #tpu.memory_space<semaphore_mem>>)
      %dma_wait3A = tpu.memref_slice %arg9[%add3A_13] : memref<20480xf32, #tpu.memory_space<hbm>> -> memref<640xf32, #tpu.memory_space<hbm>>
      %dma_wait3A_15 = tpu.memref_slice %arg15[%mul3A_2] : memref<10240xf32, #tpu.memory_space<vmem_shared>> -> memref<640xf32, #tpu.memory_space<vmem_shared>>
      tpu.wait_dma2 semaphore(%run_scoped3A : memref<!tpu.dma_semaphore, #tpu.memory_space<semaphore_mem>>) src(%dma_wait3A_15 : memref<640xf32, #tpu.memory_space<vmem_shared>>) dst(%dma_wait3A : memref<640xf32, #tpu.memory_space<hbm>>)
      tpu.yield
    }) : () -> ()
    return
  }
}

module attributes {stable_mosaic.version = 14 : i64} {
  func.func @_tc1_body(%arg0: i32, %arg1: memref<1000x128xf32, #tpu.memory_space<vmem>>, %arg2: memref<1000x128xf32, #tpu.memory_space<vmem>>, %arg3: memref<1000x128xf32, #tpu.memory_space<vmem>>, %arg4: memref<1000x1xf32, #tpu.memory_space<vmem>>, %arg5: memref<1000x1xf32, #tpu.memory_space<vmem>>, %arg6: memref<128x256xf32, #tpu.memory_space<vmem>>, %arg7: memref<128x256xf32, #tpu.memory_space<vmem>>, %arg8: memref<1x256xf32, #tpu.memory_space<vmem>>, %arg9: memref<1x256xf32, #tpu.memory_space<vmem>>, %arg10: memref<1x256xf32, #tpu.memory_space<vmem>>, %arg11: memref<1x256xf32, #tpu.memory_space<vmem>>, %arg12: memref<1x256xf32, #tpu.memory_space<vmem>>, %arg13: memref<256x128xf32, #tpu.memory_space<vmem>>, %arg14: memref<1000x256xf32, #tpu.memory_space<vmem>>, %arg15: memref<1000x128xf32, #tpu.memory_space<vmem>>) attributes {dimension_semantics = [#tpu.dimension_semantics<arbitrary>], iteration_bounds = array<i64: 10>, scalar_prefetch = 0 : i64, scratch_operands = 0 : i64, tpu.core_type = #tpu.core_type<tc>, window_params = [{transform_indices = @transform_0, window_bounds = array<i64: 1000, 128>}, {transform_indices = @transform_1, window_bounds = array<i64: 1000, 128>}, {transform_indices = @transform_2, window_bounds = array<i64: 1000, 128>}, {transform_indices = @transform_3, window_bounds = array<i64: 1000, 1>}, {transform_indices = @transform_4, window_bounds = array<i64: 1000, 1>}, {pipeline_mode = #tpu.pipeline_mode<synchronous>, transform_indices = @transform_5, window_bounds = array<i64: 128, 256>}, {pipeline_mode = #tpu.pipeline_mode<synchronous>, transform_indices = @transform_6, window_bounds = array<i64: 128, 256>}, {pipeline_mode = #tpu.pipeline_mode<synchronous>, transform_indices = @transform_7, window_bounds = array<i64: 1, 256>}, {pipeline_mode = #tpu.pipeline_mode<synchronous>, transform_indices = @transform_8, window_bounds = array<i64: 1, 256>}, {pipeline_mode = #tpu.pipeline_mode<synchronous>, transform_indices = @transform_9, window_bounds = array<i64: 1, 256>}, {pipeline_mode = #tpu.pipeline_mode<synchronous>, transform_indices = @transform_10, window_bounds = array<i64: 1, 256>}, {pipeline_mode = #tpu.pipeline_mode<synchronous>, transform_indices = @transform_11, window_bounds = array<i64: 1, 256>}, {pipeline_mode = #tpu.pipeline_mode<synchronous>, transform_indices = @transform_12, window_bounds = array<i64: 256, 128>}, {transform_indices = @transform_13, window_bounds = array<i64: 1000, 256>}, {transform_indices = @transform_14, window_bounds = array<i64: 1000, 128>}]} {
    %get3A = arith.constant 0 : index
    %get3A_0 = arith.constant 0 : index
    %get3A_1 = vector.load %arg4[%get3A, %get3A_0] : memref<1000x1xf32, #tpu.memory_space<vmem>>, vector<1000x1xf32>
    %get3A_2 = arith.constant 0 : index
    %get3A_3 = arith.constant 0 : index
    %get3A_4 = vector.load %arg5[%get3A_2, %get3A_3] : memref<1000x1xf32, #tpu.memory_space<vmem>>, vector<1000x1xf32>
    %add3A = arith.addf %get3A_1, %get3A_4 : vector<1000x1xf32>
    %get3A_5 = arith.constant 0 : index
    %get3A_6 = arith.constant 0 : index
    %get3A_7 = vector.load %arg2[%get3A_5, %get3A_6] : memref<1000x128xf32, #tpu.memory_space<vmem>>, vector<1000x128xf32>
    %get3A_8 = arith.constant 0 : index
    %get3A_9 = arith.constant 0 : index
    %get3A_10 = vector.load %arg3[%get3A_8, %get3A_9] : memref<1000x128xf32, #tpu.memory_space<vmem>>, vector<1000x128xf32>
    %add3A_11 = arith.addf %get3A_7, %get3A_10 : vector<1000x128xf32>
    %max3A = arith.constant 1.000000e+00 : f32
    %max3A_12 = vector.broadcast %max3A : f32 to vector<1000x1xf32>
    %max3A_13 = arith.maximumf %add3A, %max3A_12 : vector<1000x1xf32>
    %div3A = vector.broadcast %max3A_13 : vector<1000x1xf32> to vector<1000x128xf32>
    %div3A_14 = arith.divf %add3A_11, %div3A : vector<1000x128xf32>
    %get3A_15 = arith.constant 0 : index
    %get3A_16 = arith.constant 0 : index
    %get3A_17 = vector.load %arg6[%get3A_15, %get3A_16] : memref<128x256xf32, #tpu.memory_space<vmem>>, vector<128x256xf32>
    %dot_general3A = arith.constant dense<0.000000e+00> : vector<1000x256xf32>
    %dot_general3A_18 = tpu.matmul %div3A_14, %get3A_17, %dot_general3A {dimension_numbers = #tpu.dot_dimension_numbers<[1], [0], [0], [1], [0, 0, 1, 1], [], []>, transpose_lhs_hint = false} : vector<1000x128xf32>, vector<128x256xf32>, vector<1000x256xf32> -> vector<1000x256xf32>
    %get3A_19 = arith.constant 0 : index
    %get3A_20 = arith.constant 0 : index
    %get3A_21 = vector.load %arg1[%get3A_19, %get3A_20] : memref<1000x128xf32, #tpu.memory_space<vmem>>, vector<1000x128xf32>
    %get3A_22 = arith.constant 0 : index
    %get3A_23 = arith.constant 0 : index
    %get3A_24 = vector.load %arg7[%get3A_22, %get3A_23] : memref<128x256xf32, #tpu.memory_space<vmem>>, vector<128x256xf32>
    %dot_general3A_25 = arith.constant dense<0.000000e+00> : vector<1000x256xf32>
    %dot_general3A_26 = tpu.matmul %get3A_21, %get3A_24, %dot_general3A_25 {dimension_numbers = #tpu.dot_dimension_numbers<[1], [0], [0], [1], [0, 0, 1, 1], [], []>, transpose_lhs_hint = false} : vector<1000x128xf32>, vector<128x256xf32>, vector<1000x256xf32> -> vector<1000x256xf32>
    %add3A_27 = arith.addf %dot_general3A_18, %dot_general3A_26 : vector<1000x256xf32>
    %get3A_28 = arith.constant 0 : index
    %get3A_29 = arith.constant 0 : index
    %get3A_30 = vector.load %arg8[%get3A_28, %get3A_29] : memref<1x256xf32, #tpu.memory_space<vmem>>, vector<1x256xf32>
    %add3A_31 = vector.broadcast %get3A_30 : vector<1x256xf32> to vector<1000x256xf32>
    %add3A_32 = arith.addf %add3A_27, %add3A_31 : vector<1000x256xf32>
    %get3A_33 = arith.constant 0 : index
    %get3A_34 = arith.constant 0 : index
    %get3A_35 = vector.load %arg9[%get3A_33, %get3A_34] : memref<1x256xf32, #tpu.memory_space<vmem>>, vector<1x256xf32>
    %get3A_36 = arith.constant 0 : index
    %get3A_37 = arith.constant 0 : index
    %get3A_38 = vector.load %arg12[%get3A_36, %get3A_37] : memref<1x256xf32, #tpu.memory_space<vmem>>, vector<1x256xf32>
    %add3A_39 = arith.constant 9.99999974E-6 : f32
    %add3A_40 = vector.broadcast %add3A_39 : f32 to vector<1x256xf32>
    %add3A_41 = arith.addf %get3A_38, %add3A_40 : vector<1x256xf32>
    %rsqrt3A = math.rsqrt %add3A_41 : vector<1x256xf32>
    %mul3A = arith.mulf %get3A_35, %rsqrt3A : vector<1x256xf32>
    %get3A_42 = arith.constant 0 : index
    %get3A_43 = arith.constant 0 : index
    %get3A_44 = vector.load %arg11[%get3A_42, %get3A_43] : memref<1x256xf32, #tpu.memory_space<vmem>>, vector<1x256xf32>
    %sub3A = vector.broadcast %get3A_44 : vector<1x256xf32> to vector<1000x256xf32>
    %sub3A_45 = arith.subf %add3A_32, %sub3A : vector<1000x256xf32>
    %mul3A_46 = vector.broadcast %mul3A : vector<1x256xf32> to vector<1000x256xf32>
    %mul3A_47 = arith.mulf %sub3A_45, %mul3A_46 : vector<1000x256xf32>
    %get3A_48 = arith.constant 0 : index
    %get3A_49 = arith.constant 0 : index
    %get3A_50 = vector.load %arg10[%get3A_48, %get3A_49] : memref<1x256xf32, #tpu.memory_space<vmem>>, vector<1x256xf32>
    %add3A_51 = vector.broadcast %get3A_50 : vector<1x256xf32> to vector<1000x256xf32>
    %add3A_52 = arith.addf %mul3A_47, %add3A_51 : vector<1000x256xf32>
    %max3A_53 = arith.constant 0.000000e+00 : f32
    %max3A_54 = vector.broadcast %max3A_53 : f32 to vector<1000x256xf32>
    %max3A_55 = arith.maximumf %add3A_52, %max3A_54 : vector<1000x256xf32>
    %swap3A = arith.constant 0 : index
    %swap3A_56 = arith.constant 0 : index
    %swap3A_57 = vector.load %arg14[%swap3A, %swap3A_56] : memref<1000x256xf32, #tpu.memory_space<vmem>>, vector<1000x256xf32>
    tpu.vector_store %arg14[%swap3A, %swap3A_56], %max3A_55 {strides = array<i32>} : memref<1000x256xf32, #tpu.memory_space<vmem>>, vector<1000x256xf32>,
    %get3A_58 = arith.constant 0 : index
    %get3A_59 = arith.constant 0 : index
    %get3A_60 = vector.load %arg13[%get3A_58, %get3A_59] : memref<256x128xf32, #tpu.memory_space<vmem>>, vector<256x128xf32>
    %dot_general3A_61 = arith.constant dense<0.000000e+00> : vector<1000x128xf32>
    %dot_general3A_62 = tpu.matmul %max3A_55, %get3A_60, %dot_general3A_61 {dimension_numbers = #tpu.dot_dimension_numbers<[1], [0], [0], [1], [0, 0, 1, 1], [], []>, transpose_lhs_hint = false} : vector<1000x256xf32>, vector<256x128xf32>, vector<1000x128xf32> -> vector<1000x128xf32>
    %swap3A_63 = arith.constant 0 : index
    %swap3A_64 = arith.constant 0 : index
    %swap3A_65 = vector.load %arg15[%swap3A_63, %swap3A_64] : memref<1000x128xf32, #tpu.memory_space<vmem>>, vector<1000x128xf32>
    tpu.vector_store %arg15[%swap3A_63, %swap3A_64], %dot_general3A_62 {strides = array<i32>} : memref<1000x128xf32, #tpu.memory_space<vmem>>, vector<1000x128xf32>,
    return
  }
  func.func @transform_0(%arg0: i32) -> (i32, i32) {
    %c0_i32 = arith.constant 0 : i32
    %c0_i32_0 = arith.constant 0 : i32
    return %arg0, %c0_i32 : i32, i32
  }
  func.func @transform_1(%arg0: i32) -> (i32, i32) {
    %c0_i32 = arith.constant 0 : i32
    %c0_i32_0 = arith.constant 0 : i32
    return %arg0, %c0_i32 : i32, i32
  }
  func.func @transform_2(%arg0: i32) -> (i32, i32) {
    %c0_i32 = arith.constant 0 : i32
    %c0_i32_0 = arith.constant 0 : i32
    return %arg0, %c0_i32 : i32, i32
  }
  func.func @transform_3(%arg0: i32) -> (i32, i32) {
    %c0_i32 = arith.constant 0 : i32
    %c0_i32_0 = arith.constant 0 : i32
    return %arg0, %c0_i32 : i32, i32
  }
  func.func @transform_4(%arg0: i32) -> (i32, i32) {
    %c0_i32 = arith.constant 0 : i32
    %c0_i32_0 = arith.constant 0 : i32
    return %arg0, %c0_i32 : i32, i32
  }
  func.func @transform_5(%arg0: i32) -> (i32, i32) {
    %c0_i32 = arith.constant 0 : i32
    %c0_i32_0 = arith.constant 0 : i32
    %c0_i32_1 = arith.constant 0 : i32
    return %c0_i32, %c0_i32_0 : i32, i32
  }
  func.func @transform_6(%arg0: i32) -> (i32, i32) {
    %c0_i32 = arith.constant 0 : i32
    %c0_i32_0 = arith.constant 0 : i32
    %c0_i32_1 = arith.constant 0 : i32
    return %c0_i32, %c0_i32_0 : i32, i32
  }
  func.func @transform_7(%arg0: i32) -> (i32, i32) {
    %c0_i32 = arith.constant 0 : i32
    %c0_i32_0 = arith.constant 0 : i32
    %c0_i32_1 = arith.constant 0 : i32
    return %c0_i32, %c0_i32_0 : i32, i32
  }
  func.func @transform_8(%arg0: i32) -> (i32, i32) {
    %c0_i32 = arith.constant 0 : i32
    %c0_i32_0 = arith.constant 0 : i32
    %c0_i32_1 = arith.constant 0 : i32
    return %c0_i32, %c0_i32_0 : i32, i32
  }
  func.func @transform_9(%arg0: i32) -> (i32, i32) {
    %c0_i32 = arith.constant 0 : i32
    %c0_i32_0 = arith.constant 0 : i32
    %c0_i32_1 = arith.constant 0 : i32
    return %c0_i32, %c0_i32_0 : i32, i32
  }
  func.func @transform_10(%arg0: i32) -> (i32, i32) {
    %c0_i32 = arith.constant 0 : i32
    %c0_i32_0 = arith.constant 0 : i32
    %c0_i32_1 = arith.constant 0 : i32
    return %c0_i32, %c0_i32_0 : i32, i32
  }
  func.func @transform_11(%arg0: i32) -> (i32, i32) {
    %c0_i32 = arith.constant 0 : i32
    %c0_i32_0 = arith.constant 0 : i32
    %c0_i32_1 = arith.constant 0 : i32
    return %c0_i32, %c0_i32_0 : i32, i32
  }
  func.func @transform_12(%arg0: i32) -> (i32, i32) {
    %c0_i32 = arith.constant 0 : i32
    %c0_i32_0 = arith.constant 0 : i32
    %c0_i32_1 = arith.constant 0 : i32
    return %c0_i32, %c0_i32_0 : i32, i32
  }
  func.func @transform_13(%arg0: i32) -> (i32, i32) {
    %c0_i32 = arith.constant 0 : i32
    %c0_i32_0 = arith.constant 0 : i32
    return %arg0, %c0_i32 : i32, i32
  }
  func.func @transform_14(%arg0: i32) -> (i32, i32) {
    %c0_i32 = arith.constant 0 : i32
    %c0_i32_0 = arith.constant 0 : i32
    return %arg0, %c0_i32 : i32, i32
  }
}

module attributes {stable_mosaic.version = 14 : i64} {
  func.func @_tc2_body(%arg0: i32, %arg1: memref<1000x256xf32, #tpu.memory_space<vmem>>, %arg2: memref<1000x128xf32, #tpu.memory_space<vmem>>, %arg3: memref<1000x128xf32, #tpu.memory_space<vmem>>, %arg4: memref<1000x1xf32, #tpu.memory_space<vmem>>, %arg5: memref<1000x1xf32, #tpu.memory_space<vmem>>, %arg6: memref<256x128xf32, #tpu.memory_space<vmem>>, %arg7: memref<1x128xf32, #tpu.memory_space<vmem>>, %arg8: memref<1000x128xf32, #tpu.memory_space<vmem>>) attributes {dimension_semantics = [#tpu.dimension_semantics<arbitrary>], iteration_bounds = array<i64: 10>, scalar_prefetch = 0 : i64, scratch_operands = 0 : i64, tpu.core_type = #tpu.core_type<tc>, window_params = [{transform_indices = @transform_0, window_bounds = array<i64: 1000, 256>}, {transform_indices = @transform_1, window_bounds = array<i64: 1000, 128>}, {transform_indices = @transform_2, window_bounds = array<i64: 1000, 128>}, {transform_indices = @transform_3, window_bounds = array<i64: 1000, 1>}, {transform_indices = @transform_4, window_bounds = array<i64: 1000, 1>}, {pipeline_mode = #tpu.pipeline_mode<synchronous>, transform_indices = @transform_5, window_bounds = array<i64: 256, 128>}, {pipeline_mode = #tpu.pipeline_mode<synchronous>, transform_indices = @transform_6, window_bounds = array<i64: 1, 128>}, {transform_indices = @transform_7, window_bounds = array<i64: 1000, 128>}]} {
    %get3A = arith.constant 0 : index
    %get3A_0 = arith.constant 0 : index
    %get3A_1 = vector.load %arg4[%get3A, %get3A_0] : memref<1000x1xf32, #tpu.memory_space<vmem>>, vector<1000x1xf32>
    %get3A_2 = arith.constant 0 : index
    %get3A_3 = arith.constant 0 : index
    %get3A_4 = vector.load %arg5[%get3A_2, %get3A_3] : memref<1000x1xf32, #tpu.memory_space<vmem>>, vector<1000x1xf32>
    %add3A = arith.addf %get3A_1, %get3A_4 : vector<1000x1xf32>
    %get3A_5 = arith.constant 0 : index
    %get3A_6 = arith.constant 0 : index
    %get3A_7 = vector.load %arg2[%get3A_5, %get3A_6] : memref<1000x128xf32, #tpu.memory_space<vmem>>, vector<1000x128xf32>
    %get3A_8 = arith.constant 0 : index
    %get3A_9 = arith.constant 0 : index
    %get3A_10 = vector.load %arg3[%get3A_8, %get3A_9] : memref<1000x128xf32, #tpu.memory_space<vmem>>, vector<1000x128xf32>
    %add3A_11 = arith.addf %get3A_7, %get3A_10 : vector<1000x128xf32>
    %max3A = arith.constant 1.000000e+00 : f32
    %max3A_12 = vector.broadcast %max3A : f32 to vector<1000x1xf32>
    %max3A_13 = arith.maximumf %add3A, %max3A_12 : vector<1000x1xf32>
    %div3A = vector.broadcast %max3A_13 : vector<1000x1xf32> to vector<1000x128xf32>
    %div3A_14 = arith.divf %add3A_11, %div3A : vector<1000x128xf32>
    %get3A_15 = arith.constant 0 : index
    %get3A_16 = arith.constant 0 : index
    %get3A_17 = vector.load %arg7[%get3A_15, %get3A_16] : memref<1x128xf32, #tpu.memory_space<vmem>>, vector<1x128xf32>
    %add3A_18 = vector.broadcast %get3A_17 : vector<1x128xf32> to vector<1000x128xf32>
    %add3A_19 = arith.addf %div3A_14, %add3A_18 : vector<1000x128xf32>
    %get3A_20 = arith.constant 0 : index
    %get3A_21 = arith.constant 0 : index
    %get3A_22 = vector.load %arg1[%get3A_20, %get3A_21] : memref<1000x256xf32, #tpu.memory_space<vmem>>, vector<1000x256xf32>
    %get3A_23 = arith.constant 0 : index
    %get3A_24 = arith.constant 0 : index
    %get3A_25 = vector.load %arg6[%get3A_23, %get3A_24] : memref<256x128xf32, #tpu.memory_space<vmem>>, vector<256x128xf32>
    %dot_general3A = arith.constant dense<0.000000e+00> : vector<1000x128xf32>
    %dot_general3A_26 = tpu.matmul %get3A_22, %get3A_25, %dot_general3A {dimension_numbers = #tpu.dot_dimension_numbers<[1], [0], [0], [1], [0, 0, 1, 1], [], []>, transpose_lhs_hint = false} : vector<1000x256xf32>, vector<256x128xf32>, vector<1000x128xf32> -> vector<1000x128xf32>
    %add3A_27 = arith.addf %add3A_19, %dot_general3A_26 : vector<1000x128xf32>
    %swap3A = arith.constant 0 : index
    %swap3A_28 = arith.constant 0 : index
    %swap3A_29 = vector.load %arg8[%swap3A, %swap3A_28] : memref<1000x128xf32, #tpu.memory_space<vmem>>, vector<1000x128xf32>
    tpu.vector_store %arg8[%swap3A, %swap3A_28], %add3A_27 {strides = array<i32>} : memref<1000x128xf32, #tpu.memory_space<vmem>>, vector<1000x128xf32>,
    return
  }
  func.func @transform_0(%arg0: i32) -> (i32, i32) {
    %c0_i32 = arith.constant 0 : i32
    %c0_i32_0 = arith.constant 0 : i32
    return %arg0, %c0_i32 : i32, i32
  }
  func.func @transform_1(%arg0: i32) -> (i32, i32) {
    %c0_i32 = arith.constant 0 : i32
    %c0_i32_0 = arith.constant 0 : i32
    return %arg0, %c0_i32 : i32, i32
  }
  func.func @transform_2(%arg0: i32) -> (i32, i32) {
    %c0_i32 = arith.constant 0 : i32
    %c0_i32_0 = arith.constant 0 : i32
    return %arg0, %c0_i32 : i32, i32
  }
  func.func @transform_3(%arg0: i32) -> (i32, i32) {
    %c0_i32 = arith.constant 0 : i32
    %c0_i32_0 = arith.constant 0 : i32
    return %arg0, %c0_i32 : i32, i32
  }
  func.func @transform_4(%arg0: i32) -> (i32, i32) {
    %c0_i32 = arith.constant 0 : i32
    %c0_i32_0 = arith.constant 0 : i32
    return %arg0, %c0_i32 : i32, i32
  }
  func.func @transform_5(%arg0: i32) -> (i32, i32) {
    %c0_i32 = arith.constant 0 : i32
    %c0_i32_0 = arith.constant 0 : i32
    %c0_i32_1 = arith.constant 0 : i32
    return %c0_i32, %c0_i32_0 : i32, i32
  }
  func.func @transform_6(%arg0: i32) -> (i32, i32) {
    %c0_i32 = arith.constant 0 : i32
    %c0_i32_0 = arith.constant 0 : i32
    %c0_i32_1 = arith.constant 0 : i32
    return %c0_i32, %c0_i32_0 : i32, i32
  }
  func.func @transform_7(%arg0: i32) -> (i32, i32) {
    %c0_i32 = arith.constant 0 : i32
    %c0_i32_0 = arith.constant 0 : i32
    return %arg0, %c0_i32 : i32, i32
  }
}

</mosaic_0001>

<sc_bundles>
// kernel: kernel.6.cloned.1.call-start
scs
__scs_entry_jumppad:
0x0: {  	(pc) =	sbr.rel $0x88, $3  }
0x1: {  	(tag) =	ssettag $0x0;
	lr =	simm.s32 $0x1  }
0x2: {  	[smem:$0x3F95] =	sst lr;
	_ =	strace $0xD0000000  }
0x3: {  	_ = 	snop  }
0x4: {  	_ = 	snop  }
0x5: {  	_ = 	snop  }
0x6: {  	_ = 	snop  }
0x7: {  	_ = 	snop  }
__scs_overlays_trampoline_lowered:
0x8: {  	[smem:$0x3FA4] =	sst s0  }
0x9: {  	[smem:$0x3FA5] =	sst s1  }
0xa: {  	[smem:$0x3FA6] =	sst s2  }
0xb: {  	[smem:$0x3FA7] =	sst s3  }
0xc: {  	[smem:$0x3FA8] =	sst s4  }
0xd: {  	[smem:$0x3FA9] =	sst s5  }
0xe: {  	[smem:$0x3FAA] =	sst s6  }
0xf: {  	[smem:$0x3FAB] =	sst s7  }
0x10: {  	[smem:$0x3FAC] =	sst s8  }
0x11: {  	[smem:$0x3FAD] =	sst s9;
	s0 =	simm.s32 @!p0 $0x0  }
0x12: {  	s1 =	sld [smem:$0x3F93];
	s0 =	simm.s32 @p0 $0x1  }
0x13: {  	[smem:$0x3FAE] =	sst s0;
	s0 =	simm.s32 @!p1 $0x0  }
0x14: {  	s2 =	sld [smem:$0x3F92];
	s0 =	simm.s32 @p1 $0x1  }
0x15: {  	[smem:$0x3FAF] =	sst s0;
	s0 =	simm.s32 @!p2 $0x0  }
0x16: {  	s3 =	sld [smem:$0x3FDB];
	s0 =	simm.s32 @p2 $0x1  }
0x17: {  	s4 =	simm.s32 $0x1BF5;
	[smem:$0x3FB1] =	sst s0  }
0x18: {  	s0 =	sld [smem:$0x3F94];
	_ =	swait.ge [sflag:s4], $0x0  }
0x19: {  	s7 =	sld [smem:$0x3F95]  }
0x1a: {  	s8 =	sadd.s32 $0xFFFFE003, lr  }
0x1b: {  	s9 =	sadd.s32 $0xFFFFFEF7, lr;
	s5 =	simm.s32 $0xFFFFFFFF;
	p2 =	slt.u32 s8, $0xFFFFF086  }
0x1c: {  	p1 =	slt.u32 s9, $0xF7A;
	s5 =	simm.s32 @!p2 $0x0  }
0x1d: {  	s5 =	simm.s32 @p1 $0x1;
	p0 =	seq.s32 s7, s2  }
0x1e: {  	s7 =	smul.u32 @!p0 $0xF7A, s2;
	p2 =	seq.s32 @!p0 s5, $0x0  }
0x1f: {  	s9 =	smul.u32 $0xF7A, s1;
	s8 =	simm.s32 @!p0 $0x1BF5;
	p2 =	por !p2, p0  }
0x20: {  	[sflag:s8] =	ssyncset.s32 @!p0 $0xFFFFF086;
	s6 =	sadd.s32 @!p0 s3, s7;
	s7 =	simm.s32 @!p0 $0x108  }
0x21: {  	s3 =	sadd.s32 s3, s9;
	s6 =	sadd.s32 @!p0 $0x88, s6;
	s7 =	simm.s32 @p2 $0x1082  }
0x22: {  	[simem:s7], [sflag:s8] =	dma.local @!p0 [hbm:s6], $0xF7A  }
0x23: {  	s9 =	sor.u32 $0xD0000000, s2;
	s6 =	simm.s32 $0x108;
	_ =	swait.ge @!p0 [sflag:s8], $0x0  }
0x24: {  	s3 =	sadd.s32 $0x88, s3;
	s6 =	simm.s32 @!p1 $0x1082;
	[sflag:s4] =	ssyncset.s32 $0xFFFFF086  }
0x25: {  	[simem:s6], [sflag:s4] =	dma.local [hbm:s3], $0xF7A  }
0x26: {  	[smem:$0x3F95] =	sst s1;
	(tag) =	ssettag s2;
	_ =	strace s9  }
0x27: {  	s1 =	sld [smem:$0x3FA5]  }
0x28: {  	s2 =	sld [smem:$0x3FA6]  }
0x29: {  	s4 =	sld [smem:$0x3FA8]  }
0x2a: {  	p0 =	seq.s32 s5, $0x0;
	s5 =	sld [smem:$0x3FA9]  }
0x2b: {  	s6 =	sld [smem:$0x3FAA]  }
0x2c: {  	s7 =	sld [smem:$0x3FAB]  }
0x2d: {  	s3 =	simm.s32 $0x108;
	s8 =	sld [smem:$0x3FAC]  }
0x2e: {  	s3 =	simm.s32 @!p0 $0x1082;
	s9 =	sld [smem:$0x3FAD]  }
0x2f: {  	lr =	sadd.s32 s0, s3;
	s0 =	sld [smem:$0x3FA4]  }
0x30: {  	s3 =	sld [smem:$0x3FA7]  }
0x31: {  	[smem:$0x3FB0] =	sst s10  }
0x32: {  	s10 =	sld [smem:$0x3FAE];
	_ =	sdelay $0x3  }
0x33: {  	p0 =	seq.s32 s10, $0x1;
	s10 =	sld [smem:$0x3FB0];
	_ =	sdelay $0x3  }
0x34: {  	[smem:$0x3FB0] =	sst s10  }
0x35: {  	s10 =	sld [smem:$0x3FAF];
	_ =	sdelay $0x3  }
0x36: {  	p1 =	seq.s32 s10, $0x1;
	s10 =	sld [smem:$0x3FB0];
	_ =	sdelay $0x3  }
0x37: {  	[smem:$0x3FB0] =	sst s10  }
0x38: {  	s10 =	sld [smem:$0x3FB1]  }
0x39: {  	_ = 	snop;
	(pc) =	sbr.ind lr, $3  }
0x3a: {  	_ = 	snop  }
0x3b: {  	_ = 	snop  }
0x3c: {  	p2 =	seq.s32 s10, $0x1;
	s10 =	sld [smem:$0x3FB0]  }
0x3d: {  	_ =	shalt  }
0x3e: {  	_ =	shalt  }
0x3f: {  	_ =	shalt  }
0x40: {  	_ =	shalt  }
0x41: {  	_ =	shalt  }
0x42: {  	_ =	shalt  }
0x43: {  	_ =	shalt  }
0x44: {  	_ =	shalt  }
0x45: {  	_ =	shalt  }
0x46: {  	_ =	shalt  }
0x47: {  	_ =	shalt  }
0x48: {  	_ =	shalt  }
0x49: {  	_ =	shalt  }
0x4a: {  	_ =	shalt  }
0x4b: {  	_ =	shalt  }
0x4c: {  	_ =	shalt  }
0x4d: {  	_ =	shalt  }
0x4e: {  	_ =	shalt  }
0x4f: {  	_ =	shalt  }
0x50: {  	_ =	shalt  }
0x51: {  	_ =	shalt  }
0x52: {  	_ =	shalt  }
0x53: {  	_ =	shalt  }
0x54: {  	_ =	shalt  }
0x55: {  	_ =	shalt  }
0x56: {  	_ =	shalt  }
0x57: {  	_ =	shalt  }
0x58: {  	_ =	shalt  }
0x59: {  	_ =	shalt  }
0x5a: {  	_ =	shalt  }
0x5b: {  	_ =	shalt  }
0x5c: {  	_ =	shalt  }
0x5d: {  	_ =	shalt  }
0x5e: {  	_ =	shalt  }
0x5f: {  	_ =	shalt  }
0x60: {  	_ =	shalt  }
0x61: {  	_ =	shalt  }
0x62: {  	_ =	shalt  }
0x63: {  	_ =	shalt  }
0x64: {  	_ =	shalt  }
0x65: {  	_ =	shalt  }
0x66: {  	_ =	shalt  }
0x67: {  	_ =	shalt  }
0x68: {  	_ =	shalt  }
0x69: {  	_ =	shalt  }
0x6a: {  	_ =	shalt  }
0x6b: {  	_ =	shalt  }
0x6c: {  	_ =	shalt  }
0x6d: {  	_ =	shalt  }
0x6e: {  	_ =	shalt  }
0x6f: {  	_ =	shalt  }
0x70: {  	_ =	shalt  }
0x71: {  	_ =	shalt  }
0x72: {  	_ =	shalt  }
0x73: {  	_ =	shalt  }
0x74: {  	_ =	shalt  }
0x75: {  	_ =	shalt  }
0x76: {  	_ =	shalt  }
0x77: {  	_ =	shalt  }
0x78: {  	_ =	shalt  }
0x79: {  	_ =	shalt  }
0x7a: {  	_ =	shalt  }
0x7b: {  	_ =	shalt  }
0x7c: {  	_ =	shalt  }
0x7d: {  	_ =	shalt  }
0x7e: {  	_ =	shalt  }
0x7f: {  	_ =	shalt  }
0x80: {  	_ =	shalt  }
0x81: {  	_ =	shalt  }
0x82: {  	_ =	shalt  }
0x83: {  	_ =	shalt  }
0x84: {  	_ =	shalt  }
0x85: {  	_ =	shalt  }
0x86: {  	_ =	shalt  }
0x87: {  	_ =	shalt  }
.Lfunc_end0:
.L_simem_size_0:
called_computation_lowered:
.L_overlay_start_0:
0x88: {  	s2 =	sld [smem:$0x3FD9]  }
0x89: {  	s3 =	sld [smem:$0x3FFE];
	_ =	sdelay $0x1  }
0x8a: {  	s1 =	srdreg.scid  }
0x8b: {  	s0 =	sand.u32 $0x1, s1  }
0x8c: {  	s17 =	sshll.u32 s0, $0xA;
	s2 =	sadd.s32 s3, s2  }
0x8d: {  	s2 =	sadd.s32 s2, s17  }
0x8e: {  	[smem:$0x3FBC] =	sst s2  }
0x8f: {  	_ = 	snop  }
0x90: {  	s2 =	sld [smem:$0x3FC9]  }
0x91: {  	s18 =	sld [smem:$0x3FD0];
	(tm) =	ssettm $0x1  }
0x92: {  	s4 =	sld [smem:$0x3FFB];
	_ =	sdelay $0x3  }
0x93: {  	_ =	strace s4  }
0x94: {  	s4 =	sld [smem:$0x3FFC];
	_ =	sdelay $0x3  }
0x95: {  	_ =	strace s4  }
0x96: {  	s4 =	sld [smem:$0x3FFD];
	_ =	sdelay $0x3  }
0x97: {  	_ =	strace s4  }
0x98: {  	_ =	strace $0x8FFFFFFF  }
0x99: {  	s19 =	sld [smem:$0x3FDB];
	_ =	sdelay $0x1  }
0x9a: {  	s5 =	simm.s32 $_scs_section_size  }
0x9b: {  	s6 =	simm.s32 $_size__tile_overlayer_lowered;
	s7 =	simm.s32 $_tile_overlayer_lowered  }
0x9c: {  	s22 =	simm.s32 $0x1BFF;
	s21 =	sshll.u32 s7, $0x1;
	s4 =	sadd.s32 s5, s19  }
0x9d: {  	s8 =	simm.s32 $0x0;
	s20 =	sshll.u32 s6, $0x1;
	s6 =	sadd.s32 s21, s4  }
0x9e: {  	[timem:s8], [sflag:s22] =	dma.local [hbm:s6], s20  }
0x9f: {  	_ =	swait.ge [sflag:s22], s20  }
0xa0: {  	s5 =	ssub.s32 $0x0, s20;
	[sflag:s22] =	ssyncset.done $0x0  }
0xa1: {  	[sflag:s22] =	ssyncadd.s32 s5;
	_ =	sdelay $0x1  }
0xa2: {  	s23 =	simm.s32 $0x1B8B  }
0xa3: {  	_ =	swait.ge [sflag:s23], $0x1  }
0xa4: {  	[sflag:s23] =	ssyncset.done $0x0  }
0xa5: {  	s25 =	simm.s32 $0x1B8E;
	s24 =	sld [smem:$0x3FFE];
	[sflag:s23] =	ssyncadd.s32 $0xFFFFFFFF  }
0xa6: {  	s26 =	simm.s32 $execute0_lowered;
	[smem:$0x3FD2] =	sst s25  }
0xa7: {  	s6 =	sshll.u32 s26, $0x1;
	_ =	strace $0x80000046;
	[dreg:$0x1] =	wrdreg $0xFFFFFFFF  }
0xa8: {  	s28 =	simm.s32 $_size_execute0_lowered;
	s4 =	sadd.s32 s4, s6;
	[dreg:$0x0] =	wrdreg $0x0  }
0xa9: {  	s6 =	sshll.u32 s28, $0x1;
	[dreg:$0x2] =	wrdreg s4  }
0xaa: {  	[dreg:$0x3] =	wrdreg s6  }
0xab: {  	[dreg:$0x4] =	wrdreg $0xC0  }
0xac: {  	_ =	task [dreg:s8], $0x5FFFF  }
0xad: {  	[dreg:$0x1] =	wrdreg $0xFFFFFFFF  }
0xae: {  	[dreg:$0x0] =	wrdreg $0x60  }
0xaf: {  	[dreg:$0x2] =	wrdreg s2  }
0xb0: {  	[dreg:$0x3] =	wrdreg s24  }
0xb1: {  	[dreg:$0x4] =	wrdreg s18  }
0xb2: {  	[dreg:$0x5] =	wrdreg $0x29800  }
0xb3: {  	[dreg:$0x6] =	wrdreg $0x169800  }
0xb4: {  	[dreg:$0x7] =	wrdreg $0x9  }
0xb5: {  	_ =	task.clear_ibuf [dreg:s8], $0x8FFFF;
	_ =	strace $0x90000046  }
0xb6: {  	s29 =	simm.s32 $0x9;
	_ =	strace $0x80000048  }
0xb7: {  	_ =	swait.ge [sflag:s29], $0x1  }
0xb8: {  	[sflag:s29] =	ssyncadd.s32 $0xFFFFFFFF  }
0xb9: {  	_ =	strace $0x90000048  }
0xba: {  	_ =	sfence  }
0xbb: {  	s30 =	sld [smem:$0x0];
	_ =	sdelay $0x2  }
0xbc: {  	s31 =	sshll.u32 s1, $0xD;
	s1 =	sshrl.u32 s1, $0x2  }
0xbd: {  	s3 =	sand.u32 $0x4000, s31;
	s1 =	sadd.s32 s1, s30  }
0xbe: {  	s0 =	sor.u32 s3, s0;
	s1 =	sshll.u32 s1, $0x11  }
0xbf: {  	s0 =	sor.u32 s1, s0  }
0xc0: {  	s0 =	sadd.s32 $0x8F2B, s0  }
0xc1: {  	[sflag:s0] =	ssyncadd.remote.s32 $0x1  }
0xc2: {  	_ =	sfence.sel $0xFFFF  }
0xc3: {  	[dreg:$0x0] =	wrdreg $0xFFFFFFFF;
	(pc) =	sbr.abs _section_cstart, $3  }
0xc4: {  	[dreg:$0x1] =	wrdreg $0xFFFFFFFF  }
0xc5: {  	_ =	task.clear_ibuf [dreg:s8], $0x2FFFF;
	_ =	strace $0x9FFFFFFF  }
0xc6: {  	(tm) =	ssettm $0x7FFFFFFF  }
0xc7: {  	_ =	shalt  }
tec
execute0_lowered:
.L_overlay_start_1:
0x0: {  	(tag) =	ssettag $0x1  }
0x1: {  	s0 =	rddreg [dreg:$0x0]  }
0x2: {  	s7 =	rddreg [dreg:$0x1]  }
0x3: {  	s11 =	rddreg [dreg:$0x2]  }
0x4: {  	s3 =	rddreg [dreg:$0x3];
	s1 =	srdreg.scid  }
0x5: {  	s4 =	rddreg [dreg:$0x4];
	s2 =	stileid.u32;
	s5 =	simm.s32 $0x0  }
0x6: {  	s18 =	simm.s32 $0x2900;
	s19 =	simm.s32 $0x80;
	s9 =	smul.u32 $0x2710, s2  }
0x7: {  	s20 =	simm.s32 $0x50;
	s21 =	simm.s32 $0x100;
	s10 =	smul.u32 $0x280, s2  }
0x8: {  	s6 =	sand.u32 $0x1, s1;
	s1 =	rddreg [dreg:$0x5];
	s23 =	smul.u32 $0x2800, s2  }
0x9: {  	s22 =	simm.s32 $0x1;
	[smem:$0x7FF] =	sst s5;
	s15 =	smul.u32 $0x50000, s2  }
0xa: {  	s30 =	sshll.u32 s2, $0x6;
	s8 =	smul.u32 $0x27100, s6;
	_ =	strace $0x80000047  }
0xb: {  	s13 =	smul.u32 $0x2800, s6;
	s28 =	ssub.s32 $0x2, s6;
	s6 =	sadd.s32 $0x17800, s7  }
0xc: {  	s12 =	sshrl.u32 s10, $0x3;
	s24 =	sadd.s32 s23, s7;
	s17 =	sshrl.u32 s28, $0x1  }
0xd: {  	s29 =	sshrl.u32 s15, $0x2;
	s31 =	sadd.s32 s10, s4;
	s23 =	simm.s32 $0x0  }
0xe: {  	s8 =	sadd.s32 s9, s8;
	s25 =	sadd.s32 s12, s7;
	s26 =	sadd.s32 s10, s13  }
0xf: {  	s13 =	ssub.s32 s28, s17;
	s15 =	sadd.s32 s29, s3;
	s17 =	sshrl.u32 s31, $0x3  }
0x10: {  	s8 =	sshrl.u32 s8, $0x3;
	s16 =	sshll.u32 s26, $0x4;
	s12 =	sshrl.u32 s26, $0x3  }
0x11: {  	s9 =	sadd.s32 $0x17A00, s25;
	s15 =	sshrl.u32 s15, $0x3;
	s14 =	sadd.s32 s8, s7  }
0x12: {  	s16 =	sadd.s32 s16, s7;
	s7 =	sadd.s32 $0x18000, s24;
	s8 =	sor.u32 $0x1C02, s30  }
0x13: {  	s11 =	sadd.s32 s11, s12;
	s12 =	smax.u32 s13, $0x1;
	s10 =	sadd.s32 $0x40000, s16  }
0x14: {  	s13 =	sadd.s32 $0x3C00, s14;
	s14 =	sadd.s32 $0xDA00, s14;
	s16 =	simm.s32 $0x2  }
.LBB2_1:
0x15: {  	[spmem:s15], [sflag:s8] =	dma.local [hbm:s7], $0x2800  }
0x16: {  	_ =	swait.ge [sflag:s16], $0x2800  }
0x17: {  	[sflag:s16] =	ssyncset.done $0x0  }
0x18: {  	[sflag:s16] =	ssyncadd.s32 $0xFFFFD800  }
0x19: {  	[spmem:s17], [sflag:s8] =	dma.local [hbm:s9], $0x50  }
0x1a: {  	_ =	swait.ge [sflag:s16], $0x50  }
0x1b: {  	[sflag:s16] =	ssyncset.done $0x0  }
0x1c: {  	[sflag:s16] =	ssyncadd.s32 $0xFFFFFFB0  }
0x1d: {  	[tilespmem:s18], [sflag:$0x2] =	stream.linear.gather [hbm4b:s6+s5], $0x80, $0x38;
	[tilespmem:$0x16C00] =	vst v63  }
0x1e: {  	_ =	swait.ge [sflag:s16], $0x80  }
0x1f: {  	[sflag:s16] =	ssyncset.done $0x0  }
0x20: {  	[sflag:s16] =	ssyncadd.s32 $0xFFFFFF80  }
0x21: {  	s24 =	sadd.s32 $0x0, s14;
	[bflag:$0x0] =	sbarrier.arrive $0xFFFF  }
0x22: {  	[tilespmem:s5], [sflag:$0x2] =	stream.linear.gather [hbm4b:s24+s5], $0x50, $0x38;
	[tilespmem:$0x16C00] =	vst v63  }
0x23: {  	_ =	swait.ge [sflag:s16], $0x50  }
0x24: {  	[sflag:s16] =	ssyncset.done $0x0  }
0x25: {  	s31 =	sadd.s32 $0x0, s13;
	[sflag:s16] =	ssyncadd.s32 $0xFFFFFFB0  }
0x26: {  	[tilespmem:s19], [sflag:$0x2] =	stream.linear.gather [hbm4b:s31+s5], $0x50, $0x38;
	[tilespmem:$0x16C00] =	vst v63  }
0x27: {  	_ =	swait.ge [sflag:s16], $0x50  }
0x28: {  	[sflag:s16] =	ssyncset.done $0x0  }
0x29: {  	[sflag:s16] =	ssyncadd.s32 $0xFFFFFFB0  }
0x2a: {  	[tilespmem:s21], [sflag:$0x1] =	stream.indirect.gather [hbm4b:s0+s20], $0x80, s5, s20, $0xb8;
	[tilespmem:$0x16C00] =	vst v63  }
0x2b: {  	_ =	swait.ge [sflag:s22], $0x2800  }
0x2c: {  	[sflag:s22] =	ssyncset.done $0x0  }
0x2d: {  	[sflag:s22] =	ssyncadd.s32 $0xFFFFD800  }
0x2e: {  	[spmem:s3] =	stream.indirect.scatter.add.f32 [tilespmem:s21], [sflag:$0x2], $0x80, s19, s20, $0xb8;
	[tilespmem:$0x16C00] =	vst v63  }
0x2f: {  	_ =	swait.ge [sflag:s16], $0x2800  }
0x30: {  	[sflag:s16] =	ssyncset.done $0x0  }
0x31: {  	[sflag:s16] =	ssyncadd.s32 $0xFFFFD800  }
0x32: {  	[spmem:s4] =	stream.indirect.scatter.add.f32 [tilespmem:s18], [sflag:$0x2], $0x1, s19, s20, $0xb8;
	[tilespmem:$0x16C00] =	vst v63  }
0x33: {  	_ =	swait.ge [sflag:s16], $0x50  }
0x34: {  	s25 =	simm.s32 $0x14;
	s24 =	simm.s32 $0xA;
	[sflag:s16] =	ssyncset.done $0x0  }
.LBB2_2:
0x35: {  	s26 =	sadd.s32 s24, s14  }
0x36: {  	[sflag:s16] =	ssyncadd.s32 $0xFFFFFFB0;
	s28 =	smov.u32 s25;
	s29 =	sadd.s32 $0xA, s25  }
0x37: {  	[tilespmem:s5], [sflag:$0x2] =	stream.linear.gather [hbm4b:s26+s5], $0x50, $0x38;
	[tilespmem:$0x16C00] =	vst v63  }
0x38: {  	p0 =	sne.s32 s25, $0x4D8;
	_ =	swait.ge [sflag:s16], $0x50  }
0x39: {  	[sflag:s16] =	ssyncset.done $0x0  }
0x3a: {  	s25 =	sadd.s32 s24, s13;
	s24 =	smov.u32 s28;
	[sflag:s16] =	ssyncadd.s32 $0xFFFFFFB0  }
0x3b: {  	[tilespmem:s19], [sflag:$0x2] =	stream.linear.gather [hbm4b:s25+s5], $0x50, $0x38;
	[tilespmem:$0x16C00] =	vst v63  }
0x3c: {  	_ =	swait.ge [sflag:s16], $0x50  }
0x3d: {  	[sflag:s16] =	ssyncset.done $0x0  }
0x3e: {  	[sflag:s16] =	ssyncadd.s32 $0xFFFFFFB0  }
0x3f: {  	[tilespmem:s21], [sflag:$0x1] =	stream.indirect.gather [hbm4b:s0+s20], $0x80, s5, s20, $0xb8;
	[tilespmem:$0x16C00] =	vst v63  }
0x40: {  	_ =	swait.ge [sflag:s22], $0x2800  }
0x41: {  	[sflag:s22] =	ssyncset.done $0x0  }
0x42: {  	[sflag:s22] =	ssyncadd.s32 $0xFFFFD800  }
0x43: {  	[spmem:s3] =	stream.indirect.scatter.add.f32 [tilespmem:s21], [sflag:$0x2], $0x80, s19, s20, $0xb8;
	[tilespmem:$0x16C00] =	vst v63  }
0x44: {  	_ =	swait.ge [sflag:s16], $0x2800  }
.Ltmp0:
0x45: {  	[sflag:s16] =	ssyncset.done $0x0;
	(pc) =	sbr.rel @p0 .LBB2_2-.Ltmp0, $4  }
0x46: {  	[sflag:s16] =	ssyncadd.s32 $0xFFFFD800  }
0x47: {  	[spmem:s4] =	stream.indirect.scatter.add.f32 [tilespmem:s18], [sflag:$0x2], $0x1, s19, s20, $0xb8;
	[tilespmem:$0x16C00] =	vst v63  }
0x48: {  	_ =	swait.ge [sflag:s16], $0x50  }
0x49: {  	s25 =	smov.u32 s29;
	[sflag:s16] =	ssyncset.done $0x0  }
0x4a: {  	s25 =	sadd.s32 s24, s14;
	[sflag:s16] =	ssyncadd.s32 $0xFFFFFFB0  }
0x4b: {  	[tilespmem:s5], [sflag:$0x2] =	stream.linear.gather [hbm4b:s25+s5], $0x50, $0x38;
	[tilespmem:$0x16C00] =	vst v63  }
0x4c: {  	_ =	swait.ge [sflag:s16], $0x50  }
0x4d: {  	[sflag:s16] =	ssyncset.done $0x0  }
0x4e: {  	s31 =	sadd.s32 s24, s13;
	[sflag:s16] =	ssyncadd.s32 $0xFFFFFFB0  }
0x4f: {  	[tilespmem:s19], [sflag:$0x2] =	stream.linear.gather [hbm4b:s31+s5], $0x50, $0x38;
	[tilespmem:$0x16C00] =	vst v63  }
0x50: {  	_ =	swait.ge [sflag:s16], $0x50  }
0x51: {  	[sflag:s16] =	ssyncset.done $0x0  }
0x52: {  	[sflag:s16] =	ssyncadd.s32 $0xFFFFFFB0  }
0x53: {  	[tilespmem:s21], [sflag:$0x1] =	stream.indirect.gather [hbm4b:s0+s20], $0x80, s5, s20, $0xb8;
	[tilespmem:$0x16C00] =	vst v63  }
0x54: {  	_ =	swait.ge [sflag:s22], $0x2800  }
0x55: {  	[sflag:s22] =	ssyncset.done $0x0  }
0x56: {  	[sflag:s22] =	ssyncadd.s32 $0xFFFFD800  }
0x57: {  	[spmem:s3] =	stream.indirect.scatter.add.f32 [tilespmem:s21], [sflag:$0x2], $0x80, s19, s20, $0xb8;
	[tilespmem:$0x16C00] =	vst v63  }
0x58: {  	_ =	swait.ge [sflag:s16], $0x2800  }
0x59: {  	[sflag:s16] =	ssyncset.done $0x0  }
0x5a: {  	[sflag:s16] =	ssyncadd.s32 $0xFFFFD800  }
0x5b: {  	[spmem:s4] =	stream.indirect.scatter.add.f32 [tilespmem:s18], [sflag:$0x2], $0x1, s19, s20, $0xb8;
	[tilespmem:$0x16C00] =	vst v63  }
0x5c: {  	_ =	swait.ge [sflag:s16], $0x50  }
0x5d: {  	[sflag:s16] =	ssyncset.done $0x0  }
0x5e: {  	[sflag:s16] =	ssyncadd.s32 $0xFFFFFFB0  }
0x5f: {  	[bflag:$0x0] =	sbarrier.arrive $0xFFFF  }
0x60: {  	[hbm:s10], [sflag:s8] =	dma.local [spmem:s15], $0x2800  }
0x61: {  	s23 =	sadd.s32 $0x1, s23;
	_ =	swait.ge [sflag:s16], $0x2800  }
0x62: {  	p0 =	sne.s32 s23, s12;
	[sflag:s16] =	ssyncset.done $0x0  }
.Ltmp1:
0x63: {  	[sflag:s16] =	ssyncadd.s32 $0xFFFFD800;
	(pc) =	sbr.rel @p0 .LBB2_1-.Ltmp1, $4  }
0x64: {  	[hbm:s11], [sflag:s8] =	dma.local [spmem:s17], $0x50  }
0x65: {  	_ =	swait.ge [sflag:s16], $0x50  }
0x66: {  	[sflag:s16] =	ssyncset.done $0x0  }
0x67: {  	[sflag:s16] =	ssyncadd.s32 $0xFFFFFFB0  }
0x68: {  	_ =	sfence.sel $0x180000  }
0x69: {  	[bflag:$0x0] =	sbarrier.arrive $0xFFFF  }
0x6a: {  	p0 =	sne.s32 s2, $0x0;
	_ =	strace $0x90000047  }
0x6b: {  	s0 =	sadd.s32 @!p0 $0x100000, s1;
	[bflag:$0x2] =	sbarrier.arrive $0xFFFF  }
0x6c: {  	[sflag:s0] =	ssyncadd.tile.s32 @!p0 $0x1;
	_ =	shalt  }
.Lfunc_end2:
_tile_overlayer_lowered:
.L_overlay_start_2:
0x6d: {  	(tag) =	ssettag $0x2  }
0x6e: {  	s0 =	rddreg [dreg:$0x0];
	s2 =	stileid.u32  }
0x6f: {  	s1 =	rddreg [dreg:$0x1];
	p0 =	sne.s32 s2, $0x0  }
0x70: {  	s3 =	rddreg [dreg:$0x2];
	[bflag:$0x3] =	sbarrier.arrive $0xFFFF;
	s2 =	simm.s32 @!p0 $0x1C02  }
0x71: {  	[timem:s3], [sflag:s2] =	dma.local @!p0 [hbm:s0], s1  }
0x72: {  	s0 =	simm.s32 @!p0 $0x2  }
0x73: {  	_ =	swait.ge @!p0 [sflag:s0], s1  }
0x74: {  	s1 =	ssub.s32 @!p0 $0x0, s1;
	[sflag:s0] =	ssyncset.done @!p0 $0x0  }
0x75: {  	[sflag:s0] =	ssyncadd.s32 @!p0 s1  }
0x76: {  	[bflag:$0x3] =	sbarrier.arrive $0xFFFF  }
0x77: {  	_ =	shalt  }

// kernel: kernel.9.cloned.1.call-start
scs
__scs_entry_jumppad:
0x0: {  	(pc) =	sbr.rel $0x88, $3  }
0x1: {  	(tag) =	ssettag $0x0;
	lr =	simm.s32 $0x1  }
0x2: {  	[smem:$0x3F95] =	sst lr;
	_ =	strace $0xD0000000  }
0x3: {  	_ = 	snop  }
0x4: {  	_ = 	snop  }
0x5: {  	_ = 	snop  }
0x6: {  	_ = 	snop  }
0x7: {  	_ = 	snop  }
__scs_overlays_trampoline_lowered:
0x8: {  	[smem:$0x3FA4] =	sst s0  }
0x9: {  	[smem:$0x3FA5] =	sst s1  }
0xa: {  	[smem:$0x3FA6] =	sst s2  }
0xb: {  	[smem:$0x3FA7] =	sst s3  }
0xc: {  	[smem:$0x3FA8] =	sst s4  }
0xd: {  	[smem:$0x3FA9] =	sst s5  }
0xe: {  	[smem:$0x3FAA] =	sst s6  }
0xf: {  	[smem:$0x3FAB] =	sst s7  }
0x10: {  	[smem:$0x3FAC] =	sst s8  }
0x11: {  	[smem:$0x3FAD] =	sst s9;
	s0 =	simm.s32 @!p0 $0x0  }
0x12: {  	s1 =	sld [smem:$0x3F93];
	s0 =	simm.s32 @p0 $0x1  }
0x13: {  	[smem:$0x3FAE] =	sst s0;
	s0 =	simm.s32 @!p1 $0x0  }
0x14: {  	s2 =	sld [smem:$0x3F92];
	s0 =	simm.s32 @p1 $0x1  }
0x15: {  	[smem:$0x3FAF] =	sst s0;
	s0 =	simm.s32 @!p2 $0x0  }
0x16: {  	s3 =	sld [smem:$0x3FDB];
	s0 =	simm.s32 @p2 $0x1  }
0x17: {  	s4 =	simm.s32 $0x1BF5;
	[smem:$0x3FB1] =	sst s0  }
0x18: {  	s0 =	sld [smem:$0x3F94];
	_ =	swait.ge [sflag:s4], $0x0  }
0x19: {  	s7 =	sld [smem:$0x3F95]  }
0x1a: {  	s8 =	sadd.s32 $0xFFFFE003, lr  }
0x1b: {  	s9 =	sadd.s32 $0xFFFFFEF7, lr;
	s5 =	simm.s32 $0xFFFFFFFF;
	p2 =	slt.u32 s8, $0xFFFFF086  }
0x1c: {  	p1 =	slt.u32 s9, $0xF7A;
	s5 =	simm.s32 @!p2 $0x0  }
0x1d: {  	s5 =	simm.s32 @p1 $0x1;
	p0 =	seq.s32 s7, s2  }
0x1e: {  	s7 =	smul.u32 @!p0 $0xF7A, s2;
	p2 =	seq.s32 @!p0 s5, $0x0  }
0x1f: {  	s9 =	smul.u32 $0xF7A, s1;
	s8 =	simm.s32 @!p0 $0x1BF5;
	p2 =	por !p2, p0  }
0x20: {  	[sflag:s8] =	ssyncset.s32 @!p0 $0xFFFFF086;
	s6 =	sadd.s32 @!p0 s3, s7;
	s7 =	simm.s32 @!p0 $0x108  }
0x21: {  	s3 =	sadd.s32 s3, s9;
	s6 =	sadd.s32 @!p0 $0x88, s6;
	s7 =	simm.s32 @p2 $0x1082  }
0x22: {  	[simem:s7], [sflag:s8] =	dma.local @!p0 [hbm:s6], $0xF7A  }
0x23: {  	s9 =	sor.u32 $0xD0000000, s2;
	s6 =	simm.s32 $0x108;
	_ =	swait.ge @!p0 [sflag:s8], $0x0  }
0x24: {  	s3 =	sadd.s32 $0x88, s3;
	s6 =	simm.s32 @!p1 $0x1082;
	[sflag:s4] =	ssyncset.s32 $0xFFFFF086  }
0x25: {  	[simem:s6], [sflag:s4] =	dma.local [hbm:s3], $0xF7A  }
0x26: {  	[smem:$0x3F95] =	sst s1;
	(tag) =	ssettag s2;
	_ =	strace s9  }
0x27: {  	s1 =	sld [smem:$0x3FA5]  }
0x28: {  	s2 =	sld [smem:$0x3FA6]  }
0x29: {  	s4 =	sld [smem:$0x3FA8]  }
0x2a: {  	p0 =	seq.s32 s5, $0x0;
	s5 =	sld [smem:$0x3FA9]  }
0x2b: {  	s6 =	sld [smem:$0x3FAA]  }
0x2c: {  	s7 =	sld [smem:$0x3FAB]  }
0x2d: {  	s3 =	simm.s32 $0x108;
	s8 =	sld [smem:$0x3FAC]  }
0x2e: {  	s3 =	simm.s32 @!p0 $0x1082;
	s9 =	sld [smem:$0x3FAD]  }
0x2f: {  	lr =	sadd.s32 s0, s3;
	s0 =	sld [smem:$0x3FA4]  }
0x30: {  	s3 =	sld [smem:$0x3FA7]  }
0x31: {  	[smem:$0x3FB0] =	sst s10  }
0x32: {  	s10 =	sld [smem:$0x3FAE];
	_ =	sdelay $0x3  }
0x33: {  	p0 =	seq.s32 s10, $0x1;
	s10 =	sld [smem:$0x3FB0];
	_ =	sdelay $0x3  }
0x34: {  	[smem:$0x3FB0] =	sst s10  }
0x35: {  	s10 =	sld [smem:$0x3FAF];
	_ =	sdelay $0x3  }
0x36: {  	p1 =	seq.s32 s10, $0x1;
	s10 =	sld [smem:$0x3FB0];
	_ =	sdelay $0x3  }
0x37: {  	[smem:$0x3FB0] =	sst s10  }
0x38: {  	s10 =	sld [smem:$0x3FB1]  }
0x39: {  	_ = 	snop;
	(pc) =	sbr.ind lr, $3  }
0x3a: {  	_ = 	snop  }
0x3b: {  	_ = 	snop  }
0x3c: {  	p2 =	seq.s32 s10, $0x1;
	s10 =	sld [smem:$0x3FB0]  }
0x3d: {  	_ =	shalt  }
0x3e: {  	_ =	shalt  }
0x3f: {  	_ =	shalt  }
0x40: {  	_ =	shalt  }
0x41: {  	_ =	shalt  }
0x42: {  	_ =	shalt  }
0x43: {  	_ =	shalt  }
0x44: {  	_ =	shalt  }
0x45: {  	_ =	shalt  }
0x46: {  	_ =	shalt  }
0x47: {  	_ =	shalt  }
0x48: {  	_ =	shalt  }
0x49: {  	_ =	shalt  }
0x4a: {  	_ =	shalt  }
0x4b: {  	_ =	shalt  }
0x4c: {  	_ =	shalt  }
0x4d: {  	_ =	shalt  }
0x4e: {  	_ =	shalt  }
0x4f: {  	_ =	shalt  }
0x50: {  	_ =	shalt  }
0x51: {  	_ =	shalt  }
0x52: {  	_ =	shalt  }
0x53: {  	_ =	shalt  }
0x54: {  	_ =	shalt  }
0x55: {  	_ =	shalt  }
0x56: {  	_ =	shalt  }
0x57: {  	_ =	shalt  }
0x58: {  	_ =	shalt  }
0x59: {  	_ =	shalt  }
0x5a: {  	_ =	shalt  }
0x5b: {  	_ =	shalt  }
0x5c: {  	_ =	shalt  }
0x5d: {  	_ =	shalt  }
0x5e: {  	_ =	shalt  }
0x5f: {  	_ =	shalt  }
0x60: {  	_ =	shalt  }
0x61: {  	_ =	shalt  }
0x62: {  	_ =	shalt  }
0x63: {  	_ =	shalt  }
0x64: {  	_ =	shalt  }
0x65: {  	_ =	shalt  }
0x66: {  	_ =	shalt  }
0x67: {  	_ =	shalt  }
0x68: {  	_ =	shalt  }
0x69: {  	_ =	shalt  }
0x6a: {  	_ =	shalt  }
0x6b: {  	_ =	shalt  }
0x6c: {  	_ =	shalt  }
0x6d: {  	_ =	shalt  }
0x6e: {  	_ =	shalt  }
0x6f: {  	_ =	shalt  }
0x70: {  	_ =	shalt  }
0x71: {  	_ =	shalt  }
0x72: {  	_ =	shalt  }
0x73: {  	_ =	shalt  }
0x74: {  	_ =	shalt  }
0x75: {  	_ =	shalt  }
0x76: {  	_ =	shalt  }
0x77: {  	_ =	shalt  }
0x78: {  	_ =	shalt  }
0x79: {  	_ =	shalt  }
0x7a: {  	_ =	shalt  }
0x7b: {  	_ =	shalt  }
0x7c: {  	_ =	shalt  }
0x7d: {  	_ =	shalt  }
0x7e: {  	_ =	shalt  }
0x7f: {  	_ =	shalt  }
0x80: {  	_ =	shalt  }
0x81: {  	_ =	shalt  }
0x82: {  	_ =	shalt  }
0x83: {  	_ =	shalt  }
0x84: {  	_ =	shalt  }
0x85: {  	_ =	shalt  }
0x86: {  	_ =	shalt  }
0x87: {  	_ =	shalt  }
.Lfunc_end0:
.L_simem_size_0:
called_computation.1_lowered:
.L_overlay_start_0:
0x88: {  	s2 =	sld [smem:$0x3FD9]  }
0x89: {  	s3 =	sld [smem:$0x3FFE];
	_ =	sdelay $0x1  }
0x8a: {  	s1 =	srdreg.scid  }
0x8b: {  	s0 =	sand.u32 $0x1, s1  }
0x8c: {  	s16 =	sshll.u32 s0, $0xA;
	s2 =	sadd.s32 s3, s2  }
0x8d: {  	s2 =	sadd.s32 s2, s16  }
0x8e: {  	[smem:$0x3FBC] =	sst s2  }
0x8f: {  	_ = 	snop  }
0x90: {  	(tm) =	ssettm $0x1  }
0x91: {  	s17 =	sld [smem:$0x3FFB];
	_ =	sdelay $0x3  }
0x92: {  	_ =	strace s17  }
0x93: {  	s2 =	sld [smem:$0x3FFC];
	_ =	sdelay $0x3  }
0x94: {  	_ =	strace s2  }
0x95: {  	s2 =	sld [smem:$0x3FFD];
	_ =	sdelay $0x3  }
0x96: {  	_ =	strace s2  }
0x97: {  	_ =	strace $0x8FFFFFFF  }
0x98: {  	s18 =	sld [smem:$0x3FDB];
	_ =	sdelay $0x1  }
0x99: {  	s19 =	simm.s32 $_scs_section_size  }
0x9a: {  	s4 =	simm.s32 $_size__tile_overlayer_lowered;
	s5 =	simm.s32 $_tile_overlayer_lowered  }
0x9b: {  	s22 =	simm.s32 $0x1BFF;
	s21 =	sshll.u32 s5, $0x1;
	s2 =	sadd.s32 s19, s18  }
0x9c: {  	s6 =	simm.s32 $0x0;
	s20 =	sshll.u32 s4, $0x1;
	s4 =	sadd.s32 s21, s2  }
0x9d: {  	[timem:s6], [sflag:s22] =	dma.local [hbm:s4], s20  }
0x9e: {  	_ =	swait.ge [sflag:s22], s20  }
0x9f: {  	s3 =	ssub.s32 $0x0, s20;
	[sflag:s22] =	ssyncset.done $0x0  }
0xa0: {  	[sflag:s22] =	ssyncadd.s32 s3;
	_ =	sdelay $0x1  }
0xa1: {  	s23 =	simm.s32 $0x1B8B  }
0xa2: {  	_ =	swait.ge [sflag:s23], $0x1  }
0xa3: {  	[sflag:s23] =	ssyncset.done $0x0  }
0xa4: {  	s25 =	simm.s32 $0x1B8E;
	s24 =	sld [smem:$0x3FFE];
	[sflag:s23] =	ssyncadd.s32 $0xFFFFFFFF  }
0xa5: {  	s26 =	simm.s32 $execute0_lowered;
	[smem:$0x3FD2] =	sst s25  }
0xa6: {  	s4 =	sshll.u32 s26, $0x1;
	_ =	strace $0x80000049;
	[dreg:$0x1] =	wrdreg $0xFFFFFFFF  }
0xa7: {  	s28 =	simm.s32 $_size_execute0_lowered;
	s2 =	sadd.s32 s2, s4;
	[dreg:$0x0] =	wrdreg $0x0  }
0xa8: {  	s4 =	sshll.u32 s28, $0x1;
	[dreg:$0x2] =	wrdreg s2  }
0xa9: {  	[dreg:$0x3] =	wrdreg s4  }
0xaa: {  	[dreg:$0x4] =	wrdreg $0xC0  }
0xab: {  	_ =	task [dreg:s6], $0x5FFFF  }
0xac: {  	[dreg:$0x1] =	wrdreg $0xFFFFFFFF  }
0xad: {  	[dreg:$0x0] =	wrdreg $0x60  }
0xae: {  	[dreg:$0x2] =	wrdreg s24  }
0xaf: {  	[dreg:$0x3] =	wrdreg $0x29000  }
0xb0: {  	[dreg:$0x4] =	wrdreg $0x9  }
0xb1: {  	_ =	task.clear_ibuf [dreg:s6], $0x5FFFF;
	_ =	strace $0x90000049  }
0xb2: {  	s29 =	simm.s32 $0x9;
	_ =	strace $0x8000004B  }
0xb3: {  	_ =	swait.ge [sflag:s29], $0x1  }
0xb4: {  	[sflag:s29] =	ssyncadd.s32 $0xFFFFFFFF  }
0xb5: {  	_ =	strace $0x9000004B  }
0xb6: {  	_ =	sfence  }
0xb7: {  	s30 =	sld [smem:$0x0];
	_ =	sdelay $0x2  }
0xb8: {  	s31 =	sshll.u32 s1, $0xD;
	s1 =	sshrl.u32 s1, $0x2  }
0xb9: {  	s3 =	sand.u32 $0x4000, s31;
	s1 =	sadd.s32 s1, s30  }
0xba: {  	s0 =	sor.u32 s3, s0;
	s1 =	sshll.u32 s1, $0x11  }
0xbb: {  	s0 =	sor.u32 s1, s0  }
0xbc: {  	s0 =	sadd.s32 $0x8F2B, s0  }
0xbd: {  	[sflag:s0] =	ssyncadd.remote.s32 $0x1  }
0xbe: {  	_ =	sfence.sel $0xFFFF  }
0xbf: {  	[dreg:$0x0] =	wrdreg $0xFFFFFFFF;
	(pc) =	sbr.abs _section_cstart, $3  }
0xc0: {  	[dreg:$0x1] =	wrdreg $0xFFFFFFFF  }
0xc1: {  	_ =	task.clear_ibuf [dreg:s6], $0x2FFFF;
	_ =	strace $0x9FFFFFFF  }
0xc2: {  	(tm) =	ssettm $0x7FFFFFFF  }
0xc3: {  	_ =	shalt  }
tec
execute0_lowered:
.L_overlay_start_1:
0x0: {  	(tag) =	ssettag $0x1  }
0x1: {  	s5 =	rddreg [dreg:$0x0];
	s0 =	srdreg.scid  }
0x2: {  	s2 =	rddreg [dreg:$0x1];
	s1 =	stileid.u32  }
0x3: {  	s3 =	simm.s32 $0x0;
	s13 =	simm.s32 $0x80;
	s14 =	simm.s32 $0x50  }
0x4: {  	s15 =	simm.s32 $0x100;
	s16 =	simm.s32 $0x1;
	s7 =	smul.u32 $0x2710, s1  }
0x5: {  	s6 =	sand.u32 $0x1, s0;
	s0 =	rddreg [dreg:$0x2];
	s8 =	smul.u32 $0x2800, s1  }
0x6: {  	s17 =	simm.s32 $0x0;
	[smem:$0x7FF] =	sst s3;
	s28 =	smul.u32 $0x50000, s1  }
0x7: {  	s31 =	sshll.u32 s1, $0x6;
	s4 =	smul.u32 $0x27100, s6;
	_ =	strace $0x8000004A  }
0x8: {  	s9 =	smul.u32 $0x28000, s6;
	s6 =	ssub.s32 $0x2, s6;
	s11 =	sadd.s32 s8, s5  }
0x9: {  	s29 =	sshrl.u32 s6, $0x1;
	s30 =	sshrl.u32 s28, $0x2;
	s7 =	sadd.s32 s7, s4  }
0xa: {  	s4 =	sadd.s32 $0xB5400, s5;
	s8 =	sadd.s32 s8, s9;
	s9 =	ssub.s32 s6, s29  }
0xb: {  	s12 =	sadd.s32 s30, s2;
	s6 =	sor.u32 $0x1C02, s31;
	s7 =	sshrl.u32 s7, $0x3  }
0xc: {  	s8 =	sadd.s32 s8, s5;
	s10 =	sadd.s32 s7, s5;
	s5 =	sadd.s32 $0x18000, s11  }
0xd: {  	s7 =	sadd.s32 $0xDC600, s8;
	s8 =	smax.u32 s9, $0x1;
	s11 =	sshrl.u32 s12, $0x3  }
0xe: {  	s12 =	simm.s32 $0x2;
	s9 =	sadd.s32 $0x3C00, s10;
	s10 =	sadd.s32 $0xDA00, s10  }
.LBB2_1:
0xf: {  	[spmem:s11], [sflag:s6] =	dma.local [hbm:s5], $0x2800  }
0x10: {  	_ =	swait.ge [sflag:s12], $0x2800  }
0x11: {  	[sflag:s12] =	ssyncset.done $0x0  }
0x12: {  	[sflag:s12] =	ssyncadd.s32 $0xFFFFD800  }
0x13: {  	s18 =	sadd.s32 $0x0, s10;
	[bflag:$0x0] =	sbarrier.arrive $0xFFFF  }
0x14: {  	[tilespmem:s3], [sflag:$0x2] =	stream.linear.gather [hbm4b:s18+s3], $0x50, $0x38;
	[tilespmem:$0x16900] =	vst v63  }
0x15: {  	_ =	swait.ge [sflag:s12], $0x50  }
0x16: {  	[sflag:s12] =	ssyncset.done $0x0  }
0x17: {  	s31 =	sadd.s32 $0x0, s9;
	[sflag:s12] =	ssyncadd.s32 $0xFFFFFFB0  }
0x18: {  	[tilespmem:s13], [sflag:$0x2] =	stream.linear.gather [hbm4b:s31+s3], $0x50, $0x38;
	[tilespmem:$0x16900] =	vst v63  }
0x19: {  	_ =	swait.ge [sflag:s12], $0x50  }
0x1a: {  	[sflag:s12] =	ssyncset.done $0x0  }
0x1b: {  	[sflag:s12] =	ssyncadd.s32 $0xFFFFFFB0  }
0x1c: {  	[tilespmem:s15], [sflag:$0x1] =	stream.indirect.gather [hbm4b:s4+s14], $0x80, s3, s14, $0xb8;
	[tilespmem:$0x16900] =	vst v63  }
0x1d: {  	_ =	swait.ge [sflag:s16], $0x2800  }
0x1e: {  	[sflag:s16] =	ssyncset.done $0x0  }
0x1f: {  	[sflag:s16] =	ssyncadd.s32 $0xFFFFD800  }
0x20: {  	[spmem:s2] =	stream.indirect.scatter.add.f32 [tilespmem:s15], [sflag:$0x2], $0x80, s13, s14, $0xb8;
	[tilespmem:$0x16900] =	vst v63  }
0x21: {  	_ =	swait.ge [sflag:s12], $0x2800  }
0x22: {  	s19 =	simm.s32 $0x14;
	s18 =	simm.s32 $0xA;
	[sflag:s12] =	ssyncset.done $0x0  }
.LBB2_2:
0x23: {  	s20 =	sadd.s32 s18, s10  }
0x24: {  	[sflag:s12] =	ssyncadd.s32 $0xFFFFD800;
	s21 =	smov.u32 s19;
	s22 =	sadd.s32 $0xA, s19  }
0x25: {  	[tilespmem:s3], [sflag:$0x2] =	stream.linear.gather [hbm4b:s20+s3], $0x50, $0x38;
	[tilespmem:$0x16900] =	vst v63  }
0x26: {  	p0 =	sne.s32 s19, $0x4D8;
	_ =	swait.ge [sflag:s12], $0x50  }
0x27: {  	[sflag:s12] =	ssyncset.done $0x0  }
0x28: {  	s19 =	sadd.s32 s18, s9;
	s18 =	smov.u32 s21;
	[sflag:s12] =	ssyncadd.s32 $0xFFFFFFB0  }
0x29: {  	[tilespmem:s13], [sflag:$0x2] =	stream.linear.gather [hbm4b:s19+s3], $0x50, $0x38;
	[tilespmem:$0x16900] =	vst v63  }
0x2a: {  	_ =	swait.ge [sflag:s12], $0x50  }
0x2b: {  	[sflag:s12] =	ssyncset.done $0x0  }
0x2c: {  	[sflag:s12] =	ssyncadd.s32 $0xFFFFFFB0  }
0x2d: {  	[tilespmem:s15], [sflag:$0x1] =	stream.indirect.gather [hbm4b:s4+s14], $0x80, s3, s14, $0xb8;
	[tilespmem:$0x16900] =	vst v63  }
0x2e: {  	_ =	swait.ge [sflag:s16], $0x2800  }
.Ltmp0:
0x2f: {  	[sflag:s16] =	ssyncset.done $0x0;
	(pc) =	sbr.rel @p0 .LBB2_2-.Ltmp0, $4  }
0x30: {  	[sflag:s16] =	ssyncadd.s32 $0xFFFFD800  }
0x31: {  	[spmem:s2] =	stream.indirect.scatter.add.f32 [tilespmem:s15], [sflag:$0x2], $0x80, s13, s14, $0xb8;
	[tilespmem:$0x16900] =	vst v63  }
0x32: {  	_ =	swait.ge [sflag:s12], $0x2800  }
0x33: {  	s19 =	smov.u32 s22;
	[sflag:s12] =	ssyncset.done $0x0  }
0x34: {  	s19 =	sadd.s32 s18, s10;
	[sflag:s12] =	ssyncadd.s32 $0xFFFFD800  }
0x35: {  	[tilespmem:s3], [sflag:$0x2] =	stream.linear.gather [hbm4b:s19+s3], $0x50, $0x38;
	[tilespmem:$0x16900] =	vst v63  }
0x36: {  	_ =	swait.ge [sflag:s12], $0x50  }
0x37: {  	[sflag:s12] =	ssyncset.done $0x0  }
0x38: {  	s31 =	sadd.s32 s18, s9;
	[sflag:s12] =	ssyncadd.s32 $0xFFFFFFB0  }
0x39: {  	[tilespmem:s13], [sflag:$0x2] =	stream.linear.gather [hbm4b:s31+s3], $0x50, $0x38;
	[tilespmem:$0x16900] =	vst v63  }
0x3a: {  	_ =	swait.ge [sflag:s12], $0x50  }
0x3b: {  	[sflag:s12] =	ssyncset.done $0x0  }
0x3c: {  	[sflag:s12] =	ssyncadd.s32 $0xFFFFFFB0  }
0x3d: {  	[tilespmem:s15], [sflag:$0x1] =	stream.indirect.gather [hbm4b:s4+s14], $0x80, s3, s14, $0xb8;
	[tilespmem:$0x16900] =	vst v63  }
0x3e: {  	_ =	swait.ge [sflag:s16], $0x2800  }
0x3f: {  	[sflag:s16] =	ssyncset.done $0x0  }
0x40: {  	[sflag:s16] =	ssyncadd.s32 $0xFFFFD800  }
0x41: {  	[spmem:s2] =	stream.indirect.scatter.add.f32 [tilespmem:s15], [sflag:$0x2], $0x80, s13, s14, $0xb8;
	[tilespmem:$0x16900] =	vst v63  }
0x42: {  	_ =	swait.ge [sflag:s12], $0x2800  }
0x43: {  	s17 =	sadd.s32 $0x1, s17;
	[sflag:s12] =	ssyncset.done $0x0  }
0x44: {  	p0 =	sne.s32 s17, s8;
	[sflag:s12] =	ssyncadd.s32 $0xFFFFD800  }
.Ltmp1:
0x45: {  	[bflag:$0x0] =	sbarrier.arrive $0xFFFF;
	(pc) =	sbr.rel @p0 .LBB2_1-.Ltmp1, $4  }
0x46: {  	[hbm:s7], [sflag:s6] =	dma.local [spmem:s11], $0x2800  }
0x47: {  	_ =	swait.ge [sflag:s12], $0x2800  }
0x48: {  	[sflag:s12] =	ssyncset.done $0x0  }
0x49: {  	[sflag:s12] =	ssyncadd.s32 $0xFFFFD800  }
0x4a: {  	_ =	sfence.sel $0x180000  }
0x4b: {  	[bflag:$0x0] =	sbarrier.arrive $0xFFFF  }
0x4c: {  	p0 =	sne.s32 s1, $0x0;
	_ =	strace $0x9000004A  }
0x4d: {  	s0 =	sadd.s32 @!p0 $0x100000, s0;
	[bflag:$0x2] =	sbarrier.arrive $0xFFFF  }
0x4e: {  	[sflag:s0] =	ssyncadd.tile.s32 @!p0 $0x1;
	_ =	shalt  }
.Lfunc_end2:
_tile_overlayer_lowered:
.L_overlay_start_2:
0x4f: {  	(tag) =	ssettag $0x2  }
0x50: {  	s0 =	rddreg [dreg:$0x0];
	s2 =	stileid.u32  }
0x51: {  	s1 =	rddreg [dreg:$0x1];
	p0 =	sne.s32 s2, $0x0  }
0x52: {  	s3 =	rddreg [dreg:$0x2];
	[bflag:$0x3] =	sbarrier.arrive $0xFFFF;
	s2 =	simm.s32 @!p0 $0x1C02  }
0x53: {  	[timem:s3], [sflag:s2] =	dma.local @!p0 [hbm:s0], s1  }
0x54: {  	s0 =	simm.s32 @!p0 $0x2  }
0x55: {  	_ =	swait.ge @!p0 [sflag:s0], s1  }
0x56: {  	s1 =	ssub.s32 @!p0 $0x0, s1;
	[sflag:s0] =	ssyncset.done @!p0 $0x0  }
0x57: {  	[sflag:s0] =	ssyncadd.s32 @!p0 s1  }
0x58: {  	[bflag:$0x3] =	sbarrier.arrive $0xFFFF  }
0x59: {  	_ =	shalt  }

</sc_bundles>
